<compile_context>
chip_gen: v7x
topology: tpu7x:2x2x1
jax: 0.10.2.dev20260603
libtpu: 0.0.44.dev20260713+nightly
codegen_flags: <defaults>
</compile_context>

<pallas_src>
import functools

import jax
import jax.numpy as jnp
from jax import lax
from jax.experimental import pallas as pl
from jax.experimental.pallas import tpu as pltpu
from jax.experimental.pallas import tpu_sc as plsc

_NUM_CORES = 2
_NUM_SUBCORES = 16
_NW = _NUM_CORES * _NUM_SUBCORES
_CHUNK = 112
_NBUF = 3
_ZROWS = 80


def _sc_aggregate(node_states, ei_p, *, n_rows, nc0, nc1):
    d = node_states.shape[1]
    rt = n_rows // _NUM_SUBCORES

    mesh = plsc.VectorSubcoreMesh(
        core_axis_name="c", subcore_axis_name="s",
        num_cores=_NUM_CORES, num_subcores=_NUM_SUBCORES)

    @functools.partial(
        pl.kernel,
        out_type=[
            jax.ShapeDtypeStruct((n_rows, d), jnp.float32),
            jax.ShapeDtypeStruct((n_rows, d), jnp.float32),
            jax.ShapeDtypeStruct((n_rows,), jnp.float32),
            jax.ShapeDtypeStruct((n_rows,), jnp.float32),
        ],
        mesh=mesh,
        scratch_types=[
            pltpu.VMEM((1, _CHUNK), jnp.int32),
            pltpu.VMEM((1, _CHUNK), jnp.int32),
            pltpu.VMEM((1, _CHUNK), jnp.int32),
            pltpu.VMEM((1, _CHUNK), jnp.int32),
            pltpu.VMEM((1, _CHUNK), jnp.int32),
            pltpu.VMEM((1, _CHUNK), jnp.int32),
            pltpu.VMEM((_CHUNK, d), jnp.float32),
            pltpu.VMEM((_CHUNK, d), jnp.float32),
            pltpu.VMEM((_CHUNK, d), jnp.float32),
            pltpu.VMEM((_CHUNK,), jnp.float32),
            pltpu.VMEM((n_rows // _NUM_SUBCORES,), jnp.float32),
            pltpu.VMEM_SHARED((n_rows, d), jnp.float32),
            pltpu.VMEM_SHARED((n_rows,), jnp.float32),
            pltpu.SemaphoreType.DMA,
            pltpu.SemaphoreType.DMA,
            pltpu.SemaphoreType.DMA,
            pltpu.SemaphoreType.DMA,
            pltpu.SemaphoreType.DMA,
            pltpu.SemaphoreType.DMA,
        ],
    )
    def agg_kernel(node_hbm, ec_hbm, agg_out0, agg_out1, deg_out0, deg_out1,
                   sidx0, sidx1, sidx2, didx0, didx1, didx2,
                   rows0, rows1, rows2, ones_v, zdeg_v,
                   acc_sh, deg_sh, si0, si1, si2, sg0, sg1, sg2):
        sidx = [sidx0, sidx1, sidx2]
        didx = [didx0, didx1, didx2]
        rows = [rows0, rows1, rows2]
        sem_i = [si0, si1, si2]
        sem_g = [sg0, sg1, sg2]
        c = lax.axis_index("c")
        s = lax.axis_index("s")
        base = jnp.where(c == 0, s * nc0, _NUM_SUBCORES * nc0 + s * nc1)
        n_chunks = jnp.where(c == 0, nc0, nc1)

        zeros16 = jnp.zeros((16,), jnp.float32)
        ones16 = jnp.ones((16,), jnp.float32)

        @pl.loop(0, _ZROWS)
        def _zero_rows(r):
            @pl.loop(0, d // 16)
            def _(k):
                rows[0][r, pl.ds(k * 16, 16)] = zeros16

        @pl.loop(0, _CHUNK // 16)
        def _set_ones(k):
            ones_v[pl.ds(k * 16, 16)] = ones16

        @pl.loop(0, rt // 16)
        def _zero_zdeg(k):
            zdeg_v[pl.ds(k * 16, 16)] = zeros16

        @pl.loop(0, rt // _ZROWS)
        def _zero_acc(b):
            pltpu.sync_copy(rows[0].at[pl.ds(0, _ZROWS)],
                            acc_sh.at[pl.ds(s * rt + b * _ZROWS, _ZROWS)])

        pltpu.sync_copy(zdeg_v, deg_sh.at[pl.ds(s * rt, rt)])

        plsc.subcore_barrier()

        ep_words = ei_p.shape[0] // 2

        def start_idx(chunk, b):
            off = (base + chunk) * _CHUNK
            pltpu.async_copy(ec_hbm.at[pl.ds(ep_words + off, _CHUNK)],
                             sidx[b].at[0], sem_i[b])
            pltpu.async_copy(ec_hbm.at[pl.ds(off, _CHUNK)], didx[b].at[0],
                             sem_i[b])

        def wait_idx(chunk, b):
            off = (base + chunk) * _CHUNK
            pltpu.make_async_copy(ec_hbm.at[pl.ds(ep_words + off, _CHUNK)],
                                  sidx[b].at[0], sem_i[b]).wait()
            pltpu.make_async_copy(ec_hbm.at[pl.ds(off, _CHUNK)],
                                  didx[b].at[0], sem_i[b]).wait()

        def start_gather(b):
            pltpu.async_copy(node_hbm.at[sidx[b].at[0]], rows[b], sem_g[b])

        def wait_gather(b):
            pltpu.make_async_copy(node_hbm.at[sidx[b].at[0]], rows[b],
                                  sem_g[b]).wait()

        for b in range(_NBUF):
            start_idx(b, b)
        for b in range(_NBUF - 1):
            wait_idx(b, b)
            start_gather(b)

        @pl.loop(0, n_chunks // _NBUF)
        def _round(r):
            for b in range(_NBUF):
                chunk = r * _NBUF + b
                b2 = (b + 2) % _NBUF
                wait_gather(b)
                pltpu.sync_copy(rows[b], acc_sh.at[didx[b].at[0]], add=True)
                pltpu.sync_copy(ones_v, deg_sh.at[didx[b].at[0]], add=True)

                @pl.when(chunk + _NBUF < n_chunks)
                def _prefetch_idx():
                    start_idx(chunk + _NBUF, b)

                @pl.when(chunk + 2 < n_chunks)
                def _launch_gather():
                    wait_idx(chunk + 2, b2)
                    start_gather(b2)

        plsc.subcore_barrier()

        @pl.when(c == 0)
        def _copy_out0():
            pltpu.sync_copy(acc_sh.at[pl.ds(s * rt, rt)],
                            agg_out0.at[pl.ds(s * rt, rt)])
            pltpu.sync_copy(deg_sh.at[pl.ds(s * rt, rt)],
                            deg_out0.at[pl.ds(s * rt, rt)])

        @pl.when(c == 1)
        def _copy_out1():
            pltpu.sync_copy(acc_sh.at[pl.ds(s * rt, rt)],
                            agg_out1.at[pl.ds(s * rt, rt)])
            pltpu.sync_copy(deg_sh.at[pl.ds(s * rt, rt)],
                            deg_out1.at[pl.ds(s * rt, rt)])

    return agg_kernel(node_states, ei_p)


def _tc_transform(ns, agg0, agg1, deg0, deg1, w, bias2d):
    n, d = ns.shape
    u = w.shape[1]
    blk = 1024
    grid = -(-n // blk)

    def body(ns_ref, a0_ref, a1_ref, d0_ref, d1_ref, w_ref, b_ref, o_ref):
        deg = d0_ref[...] + d1_ref[...]
        dinv = jnp.where(deg > 0, 1.0 / deg, 0.0)
        rows_i = lax.broadcasted_iota(jnp.int32, (128, 128), 0)
        cols_i = lax.broadcasted_iota(jnp.int32, (128, 128), 1)
        eye = jnp.where(rows_i == cols_i, 1.0, 0.0)
        cols = [jnp.sum(eye * dinv[g][None, :], axis=1, keepdims=True)
                for g in range(blk // 128)]
        dcol = jnp.concatenate(cols, axis=0)
        neighbor = (a0_ref[...] + a1_ref[...]) * dcol
        wmat = w_ref[...]
        acc = jnp.dot(ns_ref[...], wmat[:d], preferred_element_type=jnp.float32)
        acc = acc + jnp.dot(neighbor, wmat[d:], preferred_element_type=jnp.float32)
        o_ref[...] = jnp.maximum(acc + b_ref[...], 0.0)

    return pl.pallas_call(
        body,
        grid=(grid,),
        in_specs=[
            pl.BlockSpec((blk, d), lambda i: (i, 0)),
            pl.BlockSpec((blk, d), lambda i: (i, 0)),
            pl.BlockSpec((blk, d), lambda i: (i, 0)),
            pl.BlockSpec((blk // 128, 128), lambda i: (i, 0)),
            pl.BlockSpec((blk // 128, 128), lambda i: (i, 0)),
            pl.BlockSpec((2 * d, u), lambda i: (0, 0)),
            pl.BlockSpec((1, u), lambda i: (0, 0)),
        ],
        out_specs=pl.BlockSpec((blk, u), lambda i: (i, 0)),
        out_shape=jax.ShapeDtypeStruct((n, u), jnp.float32),
    )(ns, agg0, agg1, deg0, deg1, w, bias2d)


def kernel(node_states, edge_index, kernel, bias):
    w = kernel
    n, d = node_states.shape
    e = edge_index.shape[1]
    u = w.shape[1]

    n_rows = ((n + 2047) // 2048) * 2048
    per_w = -(-e // _NW)
    pair = 2 * (-(-per_w // (_CHUNK * _NBUF)) * _NBUF)
    nc0 = int(round(pair * 0.8167 / _NBUF)) * _NBUF
    nc1 = pair - nc0
    n_chunks = _NUM_SUBCORES * pair
    ep = n_chunks * _CHUNK

    pad = ep - e
    pad_dst = n + jax.lax.rem(jnp.arange(pad, dtype=jnp.int32),
                              jnp.int32(n_rows - n))
    pad_blk = jnp.stack([pad_dst, jnp.zeros((pad,), jnp.int32)])
    ei_p = jnp.concatenate([edge_index, pad_blk], axis=1).reshape(2 * ep)

    agg0, agg1, deg0, deg1 = _sc_aggregate(node_states, ei_p,
                                           n_rows=n_rows, nc0=nc0, nc1=nc1)

    out = _tc_transform(
        node_states, agg0, agg1,
        deg0.reshape(n_rows // 128, 128), deg1.reshape(n_rows // 128, 128),
        w, bias.reshape(1, u))
    return out

# --- scband reference (transcript-rebuilt; emitter-appended) ---
"""Pipeline reference for scband-graph-sagelayer-69758858822456 (READ-ONLY COPY).

The authoritative reference and input builder live on the scoring server;
editing this copy changes nothing except your own understanding.
"""

import jax, jax.numpy as jnp
import numpy as np

N = 10000
E = 320000
D = 128
U = 128


def setup_inputs(seed: int = 0) -> dict:
    key = jax.random.key(seed)
    k1, k2, k3 = jax.random.split(key, 3)
    node_states = jax.random.normal(k1, (N, D), dtype=jnp.float32)
    edge_index = jax.random.randint(k2, (2, E), 0, N, dtype=jnp.int32)
    # GraphSAGE kernel acts on concat([self, neighbor_mean]) -> (2*D, U)
    limit = np.sqrt(6.0 / (2 * D + U)).astype(np.float32)  # glorot_uniform
    kernel = jax.random.uniform(k3, (2 * D, U), dtype=jnp.float32, minval=-limit, maxval=limit)
    bias = jnp.zeros((U,), dtype=jnp.float32)
    return {"node_states": node_states, "edge_index": edge_index, "kernel": kernel, "bias": bias}


def reference(node_states, edge_index, kernel, bias):
    # adjacency A has A[dst, src] = 1 for each edge; degrees = rowsum(A)
    dst = edge_index[0]
    src = edge_index[1]
    num_edges = dst.shape[0]
    ones = jnp.ones((num_edges,), dtype=node_states.dtype)
    degrees = jax.ops.segment_sum(ones, dst, num_segments=N)
    # reciprocal_no_nan: 0 where degree == 0
    degree_inv = jnp.where(degrees > 0, 1.0 / degrees, 0.0)
    # neighbor_states = D^{-1} A x  (mean aggregation via gather + scatter-add)
    gathered = jnp.take(node_states, src, axis=0)
    agg = jax.ops.segment_sum(gathered, dst, num_segments=N)
    neighbor_states = agg * degree_inv[:, None]
    concat_states = jnp.concatenate([node_states, neighbor_states], axis=1)
    output = concat_states @ kernel + bias
    output = jax.nn.relu(output)
    return output

if __name__ == "__main__":
    import jax
    _d = setup_inputs()
    print(jax.jit(kernel)(*tuple(_d.values())))

</pallas_src>

<mosaic_0001>
#map = affine_map<(d0, d1) -> (0, 0)>
#map1 = affine_map<(d0, d1) -> (0)>
module attributes {stable_mosaic.version = 14 : i64} {
  func.func @agg_kernel(%arg0: i32, %arg1: i32, %arg2: memref<10000x128xf32, #tpu.memory_space<hbm>>, %arg3: memref<645120xi32, #tpu.memory_space<hbm>>, %arg4: memref<10240x128xf32, #tpu.memory_space<hbm>>, %arg5: memref<10240x128xf32, #tpu.memory_space<hbm>>, %arg6: memref<10240xf32, #tpu.memory_space<hbm>>, %arg7: memref<10240xf32, #tpu.memory_space<hbm>>, %arg8: memref<1x112xi32, #tpu.memory_space<vmem>>, %arg9: memref<1x112xi32, #tpu.memory_space<vmem>>, %arg10: memref<1x112xi32, #tpu.memory_space<vmem>>, %arg11: memref<1x112xi32, #tpu.memory_space<vmem>>, %arg12: memref<1x112xi32, #tpu.memory_space<vmem>>, %arg13: memref<1x112xi32, #tpu.memory_space<vmem>>, %arg14: memref<112x128xf32, #tpu.memory_space<vmem>>, %arg15: memref<112x128xf32, #tpu.memory_space<vmem>>, %arg16: memref<112x128xf32, #tpu.memory_space<vmem>>, %arg17: memref<112xf32, #tpu.memory_space<vmem>>, %arg18: memref<640xf32, #tpu.memory_space<vmem>>, %arg19: memref<10240x128xf32, #tpu.memory_space<vmem_shared>>, %arg20: memref<10240xf32, #tpu.memory_space<vmem_shared>>, %arg21: memref<!tpu.dma_semaphore, #tpu.memory_space<semaphore_mem>>, %arg22: memref<!tpu.dma_semaphore, #tpu.memory_space<semaphore_mem>>, %arg23: memref<!tpu.dma_semaphore, #tpu.memory_space<semaphore_mem>>, %arg24: memref<!tpu.dma_semaphore, #tpu.memory_space<semaphore_mem>>, %arg25: memref<!tpu.dma_semaphore, #tpu.memory_space<semaphore_mem>>, %arg26: memref<!tpu.dma_semaphore, #tpu.memory_space<semaphore_mem>>) attributes {dimension_semantics = [#tpu.dimension_semantics<core_parallel>, #tpu.dimension_semantics<subcore_parallel>], iteration_bounds = array<i64: 2, 16>, scalar_prefetch = 0 : i64, scratch_operands = 19 : i64, tpu.core_type = #tpu.core_type<sc_vector_subcore>, window_params = [{transform_indices = #map}, {transform_indices = #map1}, {transform_indices = #map}, {transform_indices = #map}, {transform_indices = #map1}, {transform_indices = #map1}]} {
    %eq3A = arith.constant 0 : i32
    %eq3A_0 = arith.cmpi eq, %arg0, %eq3A : i32
    %mul3A = arith.constant 147 : i32
    %mul3A_1 = arith.muli %arg1, %mul3A : i32
    %mul3A_2 = arith.constant 33 : i32
    %mul3A_3 = arith.muli %arg1, %mul3A_2 : i32
    %add3A = arith.constant 2352 : i32
    %add3A_4 = arith.addi %add3A, %mul3A_3 : i32
    %select_n3A = arith.select %eq3A_0, %mul3A_1, %add3A_4 : i32
    %eq3A_5 = arith.constant 0 : i32
    %eq3A_6 = arith.cmpi eq, %arg0, %eq3A_5 : i32
    %jit3A = arith.constant 147 : i32
    %jit3A_7 = arith.constant 33 : i32
    %select_n3A_8 = arith.select %eq3A_6, %jit3A, %jit3A_7 : i32
    %broadcast_in_dim3A = arith.constant 0.000000e+00 : f32
    %broadcast_in_dim3A_9 = vector.broadcast %broadcast_in_dim3A : f32 to vector<16xf32>
    %broadcast_in_dim3A_10 = arith.constant 1.000000e+00 : f32
    %broadcast_in_dim3A_11 = vector.broadcast %broadcast_in_dim3A_10 : f32 to vector<16xf32>
    %scan3A = arith.constant 0 : i32
    %scan3A_12 = arith.constant 80 : i32
    %scan3A_13 = arith.addi %scan3A, %scan3A_12 : i32
    %scan3A_14 = arith.constant 1 : i32
    scf.for %scan3A_210 = %scan3A to %scan3A_13 step %scan3A_14  : i32 {
      %mul3A_211 = arith.constant 1 : i32
      %mul3A_212 = arith.muli %scan3A_210, %mul3A_211 : i32
      %add3A_213 = arith.constant 0 : i32
      %add3A_214 = arith.addi %add3A_213, %mul3A_212 : i32
      %scan3A_215 = arith.constant 0 : i32
      %scan3A_216 = arith.constant 8 : i32
      %scan3A_217 = arith.addi %scan3A_215, %scan3A_216 : i32
      %scan3A_218 = arith.constant 1 : i32
      scf.for %scan3A_220 = %scan3A_215 to %scan3A_217 step %scan3A_218  : i32 {
        %mul3A_221 = arith.constant 1 : i32
        %mul3A_222 = arith.muli %scan3A_220, %mul3A_221 : i32
        %add3A_223 = arith.constant 0 : i32
        %add3A_224 = arith.addi %add3A_223, %mul3A_222 : i32
        %mul3A_225 = arith.constant 16 : i32
        %mul3A_226 = arith.muli %add3A_224, %mul3A_225 : i32
        %swap3A = arith.index_cast %add3A_214 : i32 to index
        %swap3A_227 = arith.index_cast %mul3A_226 : i32 to index
        %swap3A_228 = tpu.vector_load %arg14[%swap3A, %swap3A_227] {strides = array<i32>} : memref<112x128xf32, #tpu.memory_space<vmem>>, vector<1x16xf32>,
        %swap3A_229 = vector.shape_cast %swap3A_228 : vector<1x16xf32> to vector<16xf32>
        %swap3A_230 = vector.shape_cast %broadcast_in_dim3A_9 : vector<16xf32> to vector<1x16xf32>
        tpu.vector_store %arg14[%swap3A, %swap3A_227], %swap3A_230 {strides = array<i32>} : memref<112x128xf32, #tpu.memory_space<vmem>>, vector<1x16xf32>,
      }
      %scan3A_219 = arith.constant 8 : i32
    }
    %scan3A_15 = arith.constant 80 : i32
    %scan3A_16 = arith.constant 0 : i32
    %scan3A_17 = arith.constant 7 : i32
    %scan3A_18 = arith.addi %scan3A_16, %scan3A_17 : i32
    %scan3A_19 = arith.constant 1 : i32
    scf.for %scan3A_210 = %scan3A_16 to %scan3A_18 step %scan3A_19  : i32 {
      %mul3A_211 = arith.constant 1 : i32
      %mul3A_212 = arith.muli %scan3A_210, %mul3A_211 : i32
      %add3A_213 = arith.constant 0 : i32
      %add3A_214 = arith.addi %add3A_213, %mul3A_212 : i32
      %mul3A_215 = arith.constant 16 : i32
      %mul3A_216 = arith.muli %add3A_214, %mul3A_215 : i32
      %swap3A = arith.index_cast %mul3A_216 : i32 to index
      %swap3A_217 = tpu.vector_load %arg17[%swap3A] {strides = array<i32>} : memref<112xf32, #tpu.memory_space<vmem>>, vector<16xf32>,
      %swap3A_218 = vector.shape_cast %swap3A_217 : vector<16xf32> to vector<16xf32>
      %swap3A_219 = vector.shape_cast %broadcast_in_dim3A_11 : vector<16xf32> to vector<16xf32>
      tpu.vector_store %arg17[%swap3A], %swap3A_219 {strides = array<i32>} : memref<112xf32, #tpu.memory_space<vmem>>, vector<16xf32>,
    }
    %scan3A_20 = arith.constant 7 : i32
    %scan3A_21 = arith.constant 0 : i32
    %scan3A_22 = arith.constant 40 : i32
    %scan3A_23 = arith.addi %scan3A_21, %scan3A_22 : i32
    %scan3A_24 = arith.constant 1 : i32
    scf.for %scan3A_210 = %scan3A_21 to %scan3A_23 step %scan3A_24  : i32 {
      %mul3A_211 = arith.constant 1 : i32
      %mul3A_212 = arith.muli %scan3A_210, %mul3A_211 : i32
      %add3A_213 = arith.constant 0 : i32
      %add3A_214 = arith.addi %add3A_213, %mul3A_212 : i32
      %mul3A_215 = arith.constant 16 : i32
      %mul3A_216 = arith.muli %add3A_214, %mul3A_215 : i32
      %swap3A = arith.index_cast %mul3A_216 : i32 to index
      %swap3A_217 = tpu.vector_load %arg18[%swap3A] {strides = array<i32>} : memref<640xf32, #tpu.memory_space<vmem>>, vector<16xf32>,
      %swap3A_218 = vector.shape_cast %swap3A_217 : vector<16xf32> to vector<16xf32>
      %swap3A_219 = vector.shape_cast %broadcast_in_dim3A_9 : vector<16xf32> to vector<16xf32>
      tpu.vector_store %arg18[%swap3A], %swap3A_219 {strides = array<i32>} : memref<640xf32, #tpu.memory_space<vmem>>, vector<16xf32>,
    }
    %scan3A_25 = arith.constant 40 : i32
    %scan3A_26 = arith.constant 0 : i32
    %scan3A_27 = arith.constant 8 : i32
    %scan3A_28 = arith.addi %scan3A_26, %scan3A_27 : i32
    %scan3A_29 = arith.constant 1 : i32
    scf.for %scan3A_210 = %scan3A_26 to %scan3A_28 step %scan3A_29  : i32 {
      %mul3A_211 = arith.constant 1 : i32
      %mul3A_212 = arith.muli %scan3A_210, %mul3A_211 : i32
      %add3A_213 = arith.constant 0 : i32
      %add3A_214 = arith.addi %add3A_213, %mul3A_212 : i32
      %mul3A_215 = arith.constant 640 : i32
      %mul3A_216 = arith.muli %arg1, %mul3A_215 : i32
      %mul3A_217 = arith.constant 80 : i32
      %mul3A_218 = arith.muli %add3A_214, %mul3A_217 : i32
      %add3A_219 = arith.addi %mul3A_216, %mul3A_218 : i32
      "tpu.region"() ({
        %run_scoped3A = tpu.sem_alloc : memref<!tpu.dma_semaphore, #tpu.memory_space<semaphore_mem>>
        %dma_start3A_220 = arith.constant 0 : i32
        %dma_start3A_221 = arith.constant 0 : i32
        %dma_start3A_222 = tpu.memref_slice %arg14[%dma_start3A_220, %dma_start3A_221] : memref<112x128xf32, #tpu.memory_space<vmem>> -> memref<80x128xf32, #tpu.memory_space<vmem>>
        %dma_start3A_223 = arith.constant 0 : i32
        %dma_start3A_224 = tpu.memref_slice %arg19[%add3A_219, %dma_start3A_223] : memref<10240x128xf32, #tpu.memory_space<vmem_shared>> -> memref<80x128xf32, #tpu.memory_space<vmem_shared>>
        %dma_start3A_225 = arith.constant 0 : i32
        %dma_start3A_226 = tpu.memref_slice %arg19[%add3A_219, %dma_start3A_225] : memref<10240x128xf32, #tpu.memory_space<vmem_shared>> -> memref<80x128xf32, #tpu.memory_space<vmem_shared>>
        %dma_start3A_227 = arith.constant 0 : i32
        %dma_start3A_228 = arith.constant 0 : i32
        %dma_start3A_229 = tpu.memref_slice %arg14[%dma_start3A_227, %dma_start3A_228] : memref<112x128xf32, #tpu.memory_space<vmem>> -> memref<80x128xf32, #tpu.memory_space<vmem>>
        tpu.enqueue_dma source(%dma_start3A_229 : memref<80x128xf32, #tpu.memory_space<vmem>>) target(%dma_start3A_226 : memref<80x128xf32, #tpu.memory_space<vmem_shared>>) target_semaphore(%run_scoped3A : memref<!tpu.dma_semaphore, #tpu.memory_space<semaphore_mem>>)
        %dma_wait3A_230 = arith.constant 0 : i32
        %dma_wait3A_231 = arith.constant 0 : i32
        %dma_wait3A_232 = tpu.memref_slice %arg14[%dma_wait3A_230, %dma_wait3A_231] : memref<112x128xf32, #tpu.memory_space<vmem>> -> memref<80x128xf32, #tpu.memory_space<vmem>>
        %dma_wait3A_233 = arith.constant 0 : i32
        %dma_wait3A_234 = tpu.memref_slice %arg19[%add3A_219, %dma_wait3A_233] : memref<10240x128xf32, #tpu.memory_space<vmem_shared>> -> memref<80x128xf32, #tpu.memory_space<vmem_shared>>
        %dma_wait3A_235 = arith.constant 0 : i32
        %dma_wait3A_236 = tpu.memref_slice %arg19[%add3A_219, %dma_wait3A_235] : memref<10240x128xf32, #tpu.memory_space<vmem_shared>> -> memref<80x128xf32, #tpu.memory_space<vmem_shared>>
        %dma_wait3A_237 = arith.constant 0 : i32
        %dma_wait3A_238 = arith.constant 0 : i32
        %dma_wait3A_239 = tpu.memref_slice %arg14[%dma_wait3A_237, %dma_wait3A_238] : memref<112x128xf32, #tpu.memory_space<vmem>> -> memref<80x128xf32, #tpu.memory_space<vmem>>
        tpu.wait_dma2 semaphore(%run_scoped3A : memref<!tpu.dma_semaphore, #tpu.memory_space<semaphore_mem>>) src(%dma_wait3A_239 : memref<80x128xf32, #tpu.memory_space<vmem>>) dst(%dma_wait3A_236 : memref<80x128xf32, #tpu.memory_space<vmem_shared>>)
        tpu.yield
      }) : () -> ()
    }
    %scan3A_30 = arith.constant 8 : i32
    %mul3A_31 = arith.constant 640 : i32
    %mul3A_32 = arith.muli %arg1, %mul3A_31 : i32
    "tpu.region"() ({
      %run_scoped3A = tpu.sem_alloc : memref<!tpu.dma_semaphore, #tpu.memory_space<semaphore_mem>>
      %dma_start3A_210 = tpu.memref_slice %arg20[%mul3A_32] : memref<10240xf32, #tpu.memory_space<vmem_shared>> -> memref<640xf32, #tpu.memory_space<vmem_shared>>
      %dma_start3A_211 = tpu.memref_slice %arg20[%mul3A_32] : memref<10240xf32, #tpu.memory_space<vmem_shared>> -> memref<640xf32, #tpu.memory_space<vmem_shared>>
      tpu.enqueue_dma source(%arg18 : memref<640xf32, #tpu.memory_space<vmem>>) target(%dma_start3A_211 : memref<640xf32, #tpu.memory_space<vmem_shared>>) target_semaphore(%run_scoped3A : memref<!tpu.dma_semaphore, #tpu.memory_space<semaphore_mem>>)
      %dma_wait3A_212 = tpu.memref_slice %arg20[%mul3A_32] : memref<10240xf32, #tpu.memory_space<vmem_shared>> -> memref<640xf32, #tpu.memory_space<vmem_shared>>
      %dma_wait3A_213 = tpu.memref_slice %arg20[%mul3A_32] : memref<10240xf32, #tpu.memory_space<vmem_shared>> -> memref<640xf32, #tpu.memory_space<vmem_shared>>
      tpu.wait_dma2 semaphore(%run_scoped3A : memref<!tpu.dma_semaphore, #tpu.memory_space<semaphore_mem>>) src(%arg18 : memref<640xf32, #tpu.memory_space<vmem>>) dst(%dma_wait3A_213 : memref<640xf32, #tpu.memory_space<vmem_shared>>)
      tpu.yield
    }) : () -> ()
    %barrier3A = arith.constant 0 : index
    tpu.barrier barrier_id(%barrier3A)
    %add3A_33 = arith.constant 0 : i32
    %add3A_34 = arith.addi %select_n3A, %add3A_33 : i32
    %mul3A_35 = arith.constant 112 : i32
    %mul3A_36 = arith.muli %add3A_34, %mul3A_35 : i32
    %add3A_37 = arith.constant 322560 : i32
    %add3A_38 = arith.addi %add3A_37, %mul3A_36 : i32
    %dma_start3A = arith.constant 0 : i32
    %dma_start3A_39 = arith.constant 0 : i32
    %dma_start3A_40 = tpu.memref_slice %arg8[%dma_start3A, %dma_start3A_39] : memref<1x112xi32, #tpu.memory_space<vmem>> -> memref<1x112xi32, #tpu.memory_space<vmem>>
    %dma_start3A_41 = tpu.memref_squeeze %dma_start3A_40 : memref<1x112xi32, #tpu.memory_space<vmem>> -> memref<112xi32, #tpu.memory_space<vmem>>
    %dma_start3A_42 = tpu.memref_slice %arg3[%add3A_38] : memref<645120xi32, #tpu.memory_space<hbm>> -> memref<112xi32, #tpu.memory_space<hbm>>
    %dma_start3A_43 = arith.constant 0 : i32
    %dma_start3A_44 = tpu.memref_slice %arg8[%dma_start3A, %dma_start3A_43] : memref<1x112xi32, #tpu.memory_space<vmem>> -> memref<1x112xi32, #tpu.memory_space<vmem>>
    %dma_start3A_45 = tpu.memref_squeeze %dma_start3A_44 : memref<1x112xi32, #tpu.memory_space<vmem>> -> memref<112xi32, #tpu.memory_space<vmem>>
    %dma_start3A_46 = tpu.memref_slice %arg3[%add3A_38] : memref<645120xi32, #tpu.memory_space<hbm>> -> memref<112xi32, #tpu.memory_space<hbm>>
    tpu.enqueue_dma source(%dma_start3A_46 : memref<112xi32, #tpu.memory_space<hbm>>) target(%dma_start3A_45 : memref<112xi32, #tpu.memory_space<vmem>>) target_semaphore(%arg21 : memref<!tpu.dma_semaphore, #tpu.memory_space<semaphore_mem>>)
    %dma_start3A_47 = arith.constant 0 : i32
    %dma_start3A_48 = arith.constant 0 : i32
    %dma_start3A_49 = tpu.memref_slice %arg11[%dma_start3A_47, %dma_start3A_48] : memref<1x112xi32, #tpu.memory_space<vmem>> -> memref<1x112xi32, #tpu.memory_space<vmem>>
    %dma_start3A_50 = tpu.memref_squeeze %dma_start3A_49 : memref<1x112xi32, #tpu.memory_space<vmem>> -> memref<112xi32, #tpu.memory_space<vmem>>
    %dma_start3A_51 = tpu.memref_slice %arg3[%mul3A_36] : memref<645120xi32, #tpu.memory_space<hbm>> -> memref<112xi32, #tpu.memory_space<hbm>>
    %dma_start3A_52 = arith.constant 0 : i32
    %dma_start3A_53 = tpu.memref_slice %arg11[%dma_start3A_47, %dma_start3A_52] : memref<1x112xi32, #tpu.memory_space<vmem>> -> memref<1x112xi32, #tpu.memory_space<vmem>>
    %dma_start3A_54 = tpu.memref_squeeze %dma_start3A_53 : memref<1x112xi32, #tpu.memory_space<vmem>> -> memref<112xi32, #tpu.memory_space<vmem>>
    %dma_start3A_55 = tpu.memref_slice %arg3[%mul3A_36] : memref<645120xi32, #tpu.memory_space<hbm>> -> memref<112xi32, #tpu.memory_space<hbm>>
    tpu.enqueue_dma source(%dma_start3A_55 : memref<112xi32, #tpu.memory_space<hbm>>) target(%dma_start3A_54 : memref<112xi32, #tpu.memory_space<vmem>>) target_semaphore(%arg21 : memref<!tpu.dma_semaphore, #tpu.memory_space<semaphore_mem>>)
    %add3A_56 = arith.constant 1 : i32
    %add3A_57 = arith.addi %select_n3A, %add3A_56 : i32
    %mul3A_58 = arith.constant 112 : i32
    %mul3A_59 = arith.muli %add3A_57, %mul3A_58 : i32
    %add3A_60 = arith.constant 322560 : i32
    %add3A_61 = arith.addi %add3A_60, %mul3A_59 : i32
    %dma_start3A_62 = arith.constant 0 : i32
    %dma_start3A_63 = arith.constant 0 : i32
    %dma_start3A_64 = tpu.memref_slice %arg9[%dma_start3A_62, %dma_start3A_63] : memref<1x112xi32, #tpu.memory_space<vmem>> -> memref<1x112xi32, #tpu.memory_space<vmem>>
    %dma_start3A_65 = tpu.memref_squeeze %dma_start3A_64 : memref<1x112xi32, #tpu.memory_space<vmem>> -> memref<112xi32, #tpu.memory_space<vmem>>
    %dma_start3A_66 = tpu.memref_slice %arg3[%add3A_61] : memref<645120xi32, #tpu.memory_space<hbm>> -> memref<112xi32, #tpu.memory_space<hbm>>
    %dma_start3A_67 = arith.constant 0 : i32
    %dma_start3A_68 = tpu.memref_slice %arg9[%dma_start3A_62, %dma_start3A_67] : memref<1x112xi32, #tpu.memory_space<vmem>> -> memref<1x112xi32, #tpu.memory_space<vmem>>
    %dma_start3A_69 = tpu.memref_squeeze %dma_start3A_68 : memref<1x112xi32, #tpu.memory_space<vmem>> -> memref<112xi32, #tpu.memory_space<vmem>>
    %dma_start3A_70 = tpu.memref_slice %arg3[%add3A_61] : memref<645120xi32, #tpu.memory_space<hbm>> -> memref<112xi32, #tpu.memory_space<hbm>>
    tpu.enqueue_dma source(%dma_start3A_70 : memref<112xi32, #tpu.memory_space<hbm>>) target(%dma_start3A_69 : memref<112xi32, #tpu.memory_space<vmem>>) target_semaphore(%arg22 : memref<!tpu.dma_semaphore, #tpu.memory_space<semaphore_mem>>)
    %dma_start3A_71 = arith.constant 0 : i32
    %dma_start3A_72 = arith.constant 0 : i32
    %dma_start3A_73 = tpu.memref_slice %arg12[%dma_start3A_71, %dma_start3A_72] : memref<1x112xi32, #tpu.memory_space<vmem>> -> memref<1x112xi32, #tpu.memory_space<vmem>>
    %dma_start3A_74 = tpu.memref_squeeze %dma_start3A_73 : memref<1x112xi32, #tpu.memory_space<vmem>> -> memref<112xi32, #tpu.memory_space<vmem>>
    %dma_start3A_75 = tpu.memref_slice %arg3[%mul3A_59] : memref<645120xi32, #tpu.memory_space<hbm>> -> memref<112xi32, #tpu.memory_space<hbm>>
    %dma_start3A_76 = arith.constant 0 : i32
    %dma_start3A_77 = tpu.memref_slice %arg12[%dma_start3A_71, %dma_start3A_76] : memref<1x112xi32, #tpu.memory_space<vmem>> -> memref<1x112xi32, #tpu.memory_space<vmem>>
    %dma_start3A_78 = tpu.memref_squeeze %dma_start3A_77 : memref<1x112xi32, #tpu.memory_space<vmem>> -> memref<112xi32, #tpu.memory_space<vmem>>
    %dma_start3A_79 = tpu.memref_slice %arg3[%mul3A_59] : memref<645120xi32, #tpu.memory_space<hbm>> -> memref<112xi32, #tpu.memory_space<hbm>>
    tpu.enqueue_dma source(%dma_start3A_79 : memref<112xi32, #tpu.memory_space<hbm>>) target(%dma_start3A_78 : memref<112xi32, #tpu.memory_space<vmem>>) target_semaphore(%arg22 : memref<!tpu.dma_semaphore, #tpu.memory_space<semaphore_mem>>)
    %add3A_80 = arith.constant 2 : i32
    %add3A_81 = arith.addi %select_n3A, %add3A_80 : i32
    %mul3A_82 = arith.constant 112 : i32
    %mul3A_83 = arith.muli %add3A_81, %mul3A_82 : i32
    %add3A_84 = arith.constant 322560 : i32
    %add3A_85 = arith.addi %add3A_84, %mul3A_83 : i32
    %dma_start3A_86 = arith.constant 0 : i32
    %dma_start3A_87 = arith.constant 0 : i32
    %dma_start3A_88 = tpu.memref_slice %arg10[%dma_start3A_86, %dma_start3A_87] : memref<1x112xi32, #tpu.memory_space<vmem>> -> memref<1x112xi32, #tpu.memory_space<vmem>>
    %dma_start3A_89 = tpu.memref_squeeze %dma_start3A_88 : memref<1x112xi32, #tpu.memory_space<vmem>> -> memref<112xi32, #tpu.memory_space<vmem>>
    %dma_start3A_90 = tpu.memref_slice %arg3[%add3A_85] : memref<645120xi32, #tpu.memory_space<hbm>> -> memref<112xi32, #tpu.memory_space<hbm>>
    %dma_start3A_91 = arith.constant 0 : i32
    %dma_start3A_92 = tpu.memref_slice %arg10[%dma_start3A_86, %dma_start3A_91] : memref<1x112xi32, #tpu.memory_space<vmem>> -> memref<1x112xi32, #tpu.memory_space<vmem>>
    %dma_start3A_93 = tpu.memref_squeeze %dma_start3A_92 : memref<1x112xi32, #tpu.memory_space<vmem>> -> memref<112xi32, #tpu.memory_space<vmem>>
    %dma_start3A_94 = tpu.memref_slice %arg3[%add3A_85] : memref<645120xi32, #tpu.memory_space<hbm>> -> memref<112xi32, #tpu.memory_space<hbm>>
    tpu.enqueue_dma source(%dma_start3A_94 : memref<112xi32, #tpu.memory_space<hbm>>) target(%dma_start3A_93 : memref<112xi32, #tpu.memory_space<vmem>>) target_semaphore(%arg23 : memref<!tpu.dma_semaphore, #tpu.memory_space<semaphore_mem>>)
    %dma_start3A_95 = arith.constant 0 : i32
    %dma_start3A_96 = arith.constant 0 : i32
    %dma_start3A_97 = tpu.memref_slice %arg13[%dma_start3A_95, %dma_start3A_96] : memref<1x112xi32, #tpu.memory_space<vmem>> -> memref<1x112xi32, #tpu.memory_space<vmem>>
    %dma_start3A_98 = tpu.memref_squeeze %dma_start3A_97 : memref<1x112xi32, #tpu.memory_space<vmem>> -> memref<112xi32, #tpu.memory_space<vmem>>
    %dma_start3A_99 = tpu.memref_slice %arg3[%mul3A_83] : memref<645120xi32, #tpu.memory_space<hbm>> -> memref<112xi32, #tpu.memory_space<hbm>>
    %dma_start3A_100 = arith.constant 0 : i32
    %dma_start3A_101 = tpu.memref_slice %arg13[%dma_start3A_95, %dma_start3A_100] : memref<1x112xi32, #tpu.memory_space<vmem>> -> memref<1x112xi32, #tpu.memory_space<vmem>>
    %dma_start3A_102 = tpu.memref_squeeze %dma_start3A_101 : memref<1x112xi32, #tpu.memory_space<vmem>> -> memref<112xi32, #tpu.memory_space<vmem>>
    %dma_start3A_103 = tpu.memref_slice %arg3[%mul3A_83] : memref<645120xi32, #tpu.memory_space<hbm>> -> memref<112xi32, #tpu.memory_space<hbm>>
    tpu.enqueue_dma source(%dma_start3A_103 : memref<112xi32, #tpu.memory_space<hbm>>) target(%dma_start3A_102 : memref<112xi32, #tpu.memory_space<vmem>>) target_semaphore(%arg23 : memref<!tpu.dma_semaphore, #tpu.memory_space<semaphore_mem>>)
    %add3A_104 = arith.constant 0 : i32
    %add3A_105 = arith.addi %select_n3A, %add3A_104 : i32
    %mul3A_106 = arith.constant 112 : i32
    %mul3A_107 = arith.muli %add3A_105, %mul3A_106 : i32
    %add3A_108 = arith.constant 322560 : i32
    %add3A_109 = arith.addi %add3A_108, %mul3A_107 : i32
    %dma_wait3A = arith.constant 0 : i32
    %dma_wait3A_110 = arith.constant 0 : i32
    %dma_wait3A_111 = tpu.memref_slice %arg8[%dma_wait3A, %dma_wait3A_110] : memref<1x112xi32, #tpu.memory_space<vmem>> -> memref<1x112xi32, #tpu.memory_space<vmem>>
    %dma_wait3A_112 = tpu.memref_squeeze %dma_wait3A_111 : memref<1x112xi32, #tpu.memory_space<vmem>> -> memref<112xi32, #tpu.memory_space<vmem>>
    %dma_wait3A_113 = tpu.memref_slice %arg3[%add3A_109] : memref<645120xi32, #tpu.memory_space<hbm>> -> memref<112xi32, #tpu.memory_space<hbm>>
    %dma_wait3A_114 = arith.constant 0 : i32
    %dma_wait3A_115 = tpu.memref_slice %arg8[%dma_wait3A, %dma_wait3A_114] : memref<1x112xi32, #tpu.memory_space<vmem>> -> memref<1x112xi32, #tpu.memory_space<vmem>>
    %dma_wait3A_116 = tpu.memref_squeeze %dma_wait3A_115 : memref<1x112xi32, #tpu.memory_space<vmem>> -> memref<112xi32, #tpu.memory_space<vmem>>
    %dma_wait3A_117 = tpu.memref_slice %arg3[%add3A_109] : memref<645120xi32, #tpu.memory_space<hbm>> -> memref<112xi32, #tpu.memory_space<hbm>>
    tpu.wait_dma2 semaphore(%arg21 : memref<!tpu.dma_semaphore, #tpu.memory_space<semaphore_mem>>) src(%dma_wait3A_117 : memref<112xi32, #tpu.memory_space<hbm>>) dst(%dma_wait3A_116 : memref<112xi32, #tpu.memory_space<vmem>>)
    %dma_wait3A_118 = arith.constant 0 : i32
    %dma_wait3A_119 = arith.constant 0 : i32
    %dma_wait3A_120 = tpu.memref_slice %arg11[%dma_wait3A_118, %dma_wait3A_119] : memref<1x112xi32, #tpu.memory_space<vmem>> -> memref<1x112xi32, #tpu.memory_space<vmem>>
    %dma_wait3A_121 = tpu.memref_squeeze %dma_wait3A_120 : memref<1x112xi32, #tpu.memory_space<vmem>> -> memref<112xi32, #tpu.memory_space<vmem>>
    %dma_wait3A_122 = tpu.memref_slice %arg3[%mul3A_107] : memref<645120xi32, #tpu.memory_space<hbm>> -> memref<112xi32, #tpu.memory_space<hbm>>
    %dma_wait3A_123 = arith.constant 0 : i32
    %dma_wait3A_124 = tpu.memref_slice %arg11[%dma_wait3A_118, %dma_wait3A_123] : memref<1x112xi32, #tpu.memory_space<vmem>> -> memref<1x112xi32, #tpu.memory_space<vmem>>
    %dma_wait3A_125 = tpu.memref_squeeze %dma_wait3A_124 : memref<1x112xi32, #tpu.memory_space<vmem>> -> memref<112xi32, #tpu.memory_space<vmem>>
    %dma_wait3A_126 = tpu.memref_slice %arg3[%mul3A_107] : memref<645120xi32, #tpu.memory_space<hbm>> -> memref<112xi32, #tpu.memory_space<hbm>>
    tpu.wait_dma2 semaphore(%arg21 : memref<!tpu.dma_semaphore, #tpu.memory_space<semaphore_mem>>) src(%dma_wait3A_126 : memref<112xi32, #tpu.memory_space<hbm>>) dst(%dma_wait3A_125 : memref<112xi32, #tpu.memory_space<vmem>>)
    %dma_start3A_127 = arith.constant 0 : i32
    %dma_start3A_128 = arith.constant 0 : i32
    %dma_start3A_129 = tpu.memref_slice %arg8[%dma_start3A_127, %dma_start3A_128] : memref<1x112xi32, #tpu.memory_space<vmem>> -> memref<1x112xi32, #tpu.memory_space<vmem>>
    %dma_start3A_130 = tpu.memref_squeeze %dma_start3A_129 : memref<1x112xi32, #tpu.memory_space<vmem>> -> memref<112xi32, #tpu.memory_space<vmem>>
    %dma_start3A_131 = arith.constant 0 : i32
    %dma_start3A_132 = arith.constant 0 : i32
    %dma_start3A_133 = tpu.memref_slice %arg2[%dma_start3A_131, %dma_start3A_132] : memref<10000x128xf32, #tpu.memory_space<hbm>> -> memref<10000x128xf32, #tpu.memory_space<hbm>>
    tpu.enqueue_indirect_dma source(%dma_start3A_133 : memref<10000x128xf32, #tpu.memory_space<hbm>>) target(%arg14 : memref<112x128xf32, #tpu.memory_space<vmem>>) offsets(%dma_start3A_130 : memref<112xi32, #tpu.memory_space<vmem>>) semaphore(%arg24 : memref<!tpu.dma_semaphore, #tpu.memory_space<semaphore_mem>>)
    %add3A_134 = arith.constant 1 : i32
    %add3A_135 = arith.addi %select_n3A, %add3A_134 : i32
    %mul3A_136 = arith.constant 112 : i32
    %mul3A_137 = arith.muli %add3A_135, %mul3A_136 : i32
    %add3A_138 = arith.constant 322560 : i32
    %add3A_139 = arith.addi %add3A_138, %mul3A_137 : i32
    %dma_wait3A_140 = arith.constant 0 : i32
    %dma_wait3A_141 = arith.constant 0 : i32
    %dma_wait3A_142 = tpu.memref_slice %arg9[%dma_wait3A_140, %dma_wait3A_141] : memref<1x112xi32, #tpu.memory_space<vmem>> -> memref<1x112xi32, #tpu.memory_space<vmem>>
    %dma_wait3A_143 = tpu.memref_squeeze %dma_wait3A_142 : memref<1x112xi32, #tpu.memory_space<vmem>> -> memref<112xi32, #tpu.memory_space<vmem>>
    %dma_wait3A_144 = tpu.memref_slice %arg3[%add3A_139] : memref<645120xi32, #tpu.memory_space<hbm>> -> memref<112xi32, #tpu.memory_space<hbm>>
    %dma_wait3A_145 = arith.constant 0 : i32
    %dma_wait3A_146 = tpu.memref_slice %arg9[%dma_wait3A_140, %dma_wait3A_145] : memref<1x112xi32, #tpu.memory_space<vmem>> -> memref<1x112xi32, #tpu.memory_space<vmem>>
    %dma_wait3A_147 = tpu.memref_squeeze %dma_wait3A_146 : memref<1x112xi32, #tpu.memory_space<vmem>> -> memref<112xi32, #tpu.memory_space<vmem>>
    %dma_wait3A_148 = tpu.memref_slice %arg3[%add3A_139] : memref<645120xi32, #tpu.memory_space<hbm>> -> memref<112xi32, #tpu.memory_space<hbm>>
    tpu.wait_dma2 semaphore(%arg22 : memref<!tpu.dma_semaphore, #tpu.memory_space<semaphore_mem>>) src(%dma_wait3A_148 : memref<112xi32, #tpu.memory_space<hbm>>) dst(%dma_wait3A_147 : memref<112xi32, #tpu.memory_space<vmem>>)
    %dma_wait3A_149 = arith.constant 0 : i32
    %dma_wait3A_150 = arith.constant 0 : i32
    %dma_wait3A_151 = tpu.memref_slice %arg12[%dma_wait3A_149, %dma_wait3A_150] : memref<1x112xi32, #tpu.memory_space<vmem>> -> memref<1x112xi32, #tpu.memory_space<vmem>>
    %dma_wait3A_152 = tpu.memref_squeeze %dma_wait3A_151 : memref<1x112xi32, #tpu.memory_space<vmem>> -> memref<112xi32, #tpu.memory_space<vmem>>
    %dma_wait3A_153 = tpu.memref_slice %arg3[%mul3A_137] : memref<645120xi32, #tpu.memory_space<hbm>> -> memref<112xi32, #tpu.memory_space<hbm>>
    %dma_wait3A_154 = arith.constant 0 : i32
    %dma_wait3A_155 = tpu.memref_slice %arg12[%dma_wait3A_149, %dma_wait3A_154] : memref<1x112xi32, #tpu.memory_space<vmem>> -> memref<1x112xi32, #tpu.memory_space<vmem>>
    %dma_wait3A_156 = tpu.memref_squeeze %dma_wait3A_155 : memref<1x112xi32, #tpu.memory_space<vmem>> -> memref<112xi32, #tpu.memory_space<vmem>>
    %dma_wait3A_157 = tpu.memref_slice %arg3[%mul3A_137] : memref<645120xi32, #tpu.memory_space<hbm>> -> memref<112xi32, #tpu.memory_space<hbm>>
    tpu.wait_dma2 semaphore(%arg22 : memref<!tpu.dma_semaphore, #tpu.memory_space<semaphore_mem>>) src(%dma_wait3A_157 : memref<112xi32, #tpu.memory_space<hbm>>) dst(%dma_wait3A_156 : memref<112xi32, #tpu.memory_space<vmem>>)
    %dma_start3A_158 = arith.constant 0 : i32
    %dma_start3A_159 = arith.constant 0 : i32
    %dma_start3A_160 = tpu.memref_slice %arg9[%dma_start3A_158, %dma_start3A_159] : memref<1x112xi32, #tpu.memory_space<vmem>> -> memref<1x112xi32, #tpu.memory_space<vmem>>
    %dma_start3A_161 = tpu.memref_squeeze %dma_start3A_160 : memref<1x112xi32, #tpu.memory_space<vmem>> -> memref<112xi32, #tpu.memory_space<vmem>>
    %dma_start3A_162 = arith.constant 0 : i32
    %dma_start3A_163 = arith.constant 0 : i32
    %dma_start3A_164 = tpu.memref_slice %arg2[%dma_start3A_162, %dma_start3A_163] : memref<10000x128xf32, #tpu.memory_space<hbm>> -> memref<10000x128xf32, #tpu.memory_space<hbm>>
    tpu.enqueue_indirect_dma source(%dma_start3A_164 : memref<10000x128xf32, #tpu.memory_space<hbm>>) target(%arg15 : memref<112x128xf32, #tpu.memory_space<vmem>>) offsets(%dma_start3A_161 : memref<112xi32, #tpu.memory_space<vmem>>) semaphore(%arg25 : memref<!tpu.dma_semaphore, #tpu.memory_space<semaphore_mem>>)
    %jit3A_165 = arith.constant 3 : i32
    %div3A = arith.divsi %select_n3A_8, %jit3A_165 : i32
    %sign3A = arith.constant 0 : i32
    %sign3A_166 = arith.cmpi sgt, %select_n3A_8, %sign3A : i32
    %sign3A_167 = arith.extui %sign3A_166 : i1 to i32
    %sign3A_168 = arith.constant 0 : i32
    %sign3A_169 = arith.cmpi slt, %select_n3A_8, %sign3A_168 : i32
    %sign3A_170 = arith.extui %sign3A_169 : i1 to i32
    %sign3A_171 = arith.subi %sign3A_167, %sign3A_170 : i32
    %sign3A_172 = arith.constant 0 : i32
    %sign3A_173 = arith.cmpi sgt, %jit3A_165, %sign3A_172 : i32
    %sign3A_174 = arith.extui %sign3A_173 : i1 to i32
    %sign3A_175 = arith.constant 0 : i32
    %sign3A_176 = arith.cmpi slt, %jit3A_165, %sign3A_175 : i32
    %sign3A_177 = arith.extui %sign3A_176 : i1 to i32
    %sign3A_178 = arith.subi %sign3A_174, %sign3A_177 : i32
    %ne3A = arith.cmpi ne, %sign3A_171, %sign3A_178 : i32
    %rem3A = arith.remsi %select_n3A_8, %jit3A_165 : i32
    %ne3A_179 = arith.constant 0 : i32
    %ne3A_180 = arith.cmpi ne, %rem3A, %ne3A_179 : i32
    %and3A = arith.andi %ne3A, %ne3A_180 : i1
    %sub3A = arith.constant 1 : i32
    %sub3A_181 = arith.subi %div3A, %sub3A : i32
    %select_n3A_182 = arith.select %and3A, %sub3A_181, %div3A : i32
    %sub3A_183 = arith.constant 0 : i32
    %sub3A_184 = arith.subi %select_n3A_182, %sub3A_183 : i32
    %sub3A_185 = arith.constant 1 : i32
    %sub3A_186 = arith.constant 1 : i32
    %sub3A_187 = arith.subi %sub3A_185, %sub3A_186 : i32
    %add3A_188 = arith.addi %sub3A_184, %sub3A_187 : i32
    %div3A_189 = arith.constant 1 : i32
    %div3A_190 = arith.divsi %add3A_188, %div3A_189 : i32
    %while3A = arith.constant 1 : i32
    %while3A_191 = arith.constant 0 : i32
    %while3A_192 = arith.constant 0 : i32
    %while3A_193 = arith.subi %div3A_190, %while3A_192 : i32
    %while3A_194 = arith.addi %while3A_192, %while3A_193 : i32
    %while3A_195 = arith.constant 1 : i32
    %while3A_196 = arith.divsi %while3A_193, %while3A_195 : i32
    %while3A_197 = arith.muli %while3A_196, %while3A_195 : i32
    %while3A_198 = arith.addi %while3A_192, %while3A_197 : i32
    %while3A_199 = arith.constant 1 : i32
    scf.for %while3A_210 = %while3A_192 to %while3A_198 step %while3A_199  : i32 {
      %mul3A_211 = arith.muli %while3A_210, %while3A : i32
      %add3A_212 = arith.addi %while3A_191, %mul3A_211 : i32
      %mul3A_213 = arith.constant 3 : i32
      %mul3A_214 = arith.muli %add3A_212, %mul3A_213 : i32
      %add3A_215 = arith.constant 0 : i32
      %add3A_216 = arith.addi %mul3A_214, %add3A_215 : i32
      %dma_wait3A_217 = arith.constant 0 : i32
      %dma_wait3A_218 = arith.constant 0 : i32
      %dma_wait3A_219 = tpu.memref_slice %arg8[%dma_wait3A_217, %dma_wait3A_218] : memref<1x112xi32, #tpu.memory_space<vmem>> -> memref<1x112xi32, #tpu.memory_space<vmem>>
      %dma_wait3A_220 = tpu.memref_squeeze %dma_wait3A_219 : memref<1x112xi32, #tpu.memory_space<vmem>> -> memref<112xi32, #tpu.memory_space<vmem>>
      %dma_wait3A_221 = arith.constant 0 : i32
      %dma_wait3A_222 = arith.constant 0 : i32
      %dma_wait3A_223 = tpu.memref_slice %arg2[%dma_wait3A_221, %dma_wait3A_222] : memref<10000x128xf32, #tpu.memory_space<hbm>> -> memref<10000x128xf32, #tpu.memory_space<hbm>>
      tpu.wait_indirect_dma semaphore(%arg24 : memref<!tpu.dma_semaphore, #tpu.memory_space<semaphore_mem>>) src(%dma_wait3A_223 : memref<10000x128xf32, #tpu.memory_space<hbm>>) dst(%arg14 : memref<112x128xf32, #tpu.memory_space<vmem>>)
      %run_scoped3A = arith.constant 0 : i32
      "tpu.region"() ({
        %run_scoped3A_286 = tpu.sem_alloc : memref<!tpu.dma_semaphore, #tpu.memory_space<semaphore_mem>>
        %dma_start3A_287 = arith.constant 0 : i32
        %dma_start3A_288 = tpu.memref_slice %arg11[%run_scoped3A, %dma_start3A_287] : memref<1x112xi32, #tpu.memory_space<vmem>> -> memref<1x112xi32, #tpu.memory_space<vmem>>
        %dma_start3A_289 = tpu.memref_squeeze %dma_start3A_288 : memref<1x112xi32, #tpu.memory_space<vmem>> -> memref<112xi32, #tpu.memory_space<vmem>>
        %dma_start3A_290 = arith.constant 0 : i32
        %dma_start3A_291 = arith.constant 0 : i32
        %dma_start3A_292 = tpu.memref_slice %arg19[%dma_start3A_290, %dma_start3A_291] : memref<10240x128xf32, #tpu.memory_space<vmem_shared>> -> memref<10240x128xf32, #tpu.memory_space<vmem_shared>>
        tpu.enqueue_indirect_dma source(%arg14 : memref<112x128xf32, #tpu.memory_space<vmem>>) target(%dma_start3A_292 : memref<10240x128xf32, #tpu.memory_space<vmem_shared>>) offsets(%dma_start3A_289 : memref<112xi32, #tpu.memory_space<vmem>>) semaphore(%run_scoped3A_286 : memref<!tpu.dma_semaphore, #tpu.memory_space<semaphore_mem>>) {add = true}
        %dma_wait3A_293 = arith.constant 0 : i32
        %dma_wait3A_294 = tpu.memref_slice %arg11[%run_scoped3A, %dma_wait3A_293] : memref<1x112xi32, #tpu.memory_space<vmem>> -> memref<1x112xi32, #tpu.memory_space<vmem>>
        %dma_wait3A_295 = tpu.memref_squeeze %dma_wait3A_294 : memref<1x112xi32, #tpu.memory_space<vmem>> -> memref<112xi32, #tpu.memory_space<vmem>>
        %dma_wait3A_296 = arith.constant 0 : i32
        %dma_wait3A_297 = arith.constant 0 : i32
        %dma_wait3A_298 = tpu.memref_slice %arg19[%dma_wait3A_296, %dma_wait3A_297] : memref<10240x128xf32, #tpu.memory_space<vmem_shared>> -> memref<10240x128xf32, #tpu.memory_space<vmem_shared>>
        tpu.wait_indirect_dma semaphore(%run_scoped3A_286 : memref<!tpu.dma_semaphore, #tpu.memory_space<semaphore_mem>>) src(%arg14 : memref<112x128xf32, #tpu.memory_space<vmem>>) dst(%dma_wait3A_298 : memref<10240x128xf32, #tpu.memory_space<vmem_shared>>)
        tpu.yield
      }) : () -> ()
      %run_scoped3A_224 = arith.constant 0 : i32
      "tpu.region"() ({
        %run_scoped3A_286 = tpu.sem_alloc : memref<!tpu.dma_semaphore, #tpu.memory_space<semaphore_mem>>
        %dma_start3A_287 = arith.constant 0 : i32
        %dma_start3A_288 = tpu.memref_slice %arg11[%run_scoped3A_224, %dma_start3A_287] : memref<1x112xi32, #tpu.memory_space<vmem>> -> memref<1x112xi32, #tpu.memory_space<vmem>>
        %dma_start3A_289 = tpu.memref_squeeze %dma_start3A_288 : memref<1x112xi32, #tpu.memory_space<vmem>> -> memref<112xi32, #tpu.memory_space<vmem>>
        %dma_start3A_290 = arith.constant 0 : i32
        %dma_start3A_291 = tpu.memref_slice %arg20[%dma_start3A_290] : memref<10240xf32, #tpu.memory_space<vmem_shared>> -> memref<10240xf32, #tpu.memory_space<vmem_shared>>
        tpu.enqueue_indirect_dma source(%arg17 : memref<112xf32, #tpu.memory_space<vmem>>) target(%dma_start3A_291 : memref<10240xf32, #tpu.memory_space<vmem_shared>>) offsets(%dma_start3A_289 : memref<112xi32, #tpu.memory_space<vmem>>) semaphore(%run_scoped3A_286 : memref<!tpu.dma_semaphore, #tpu.memory_space<semaphore_mem>>) {add = true}
        %dma_wait3A_292 = arith.constant 0 : i32
        %dma_wait3A_293 = tpu.memref_slice %arg11[%run_scoped3A_224, %dma_wait3A_292] : memref<1x112xi32, #tpu.memory_space<vmem>> -> memref<1x112xi32, #tpu.memory_space<vmem>>
        %dma_wait3A_294 = tpu.memref_squeeze %dma_wait3A_293 : memref<1x112xi32, #tpu.memory_space<vmem>> -> memref<112xi32, #tpu.memory_space<vmem>>
        %dma_wait3A_295 = arith.constant 0 : i32
        %dma_wait3A_296 = tpu.memref_slice %arg20[%dma_wait3A_295] : memref<10240xf32, #tpu.memory_space<vmem_shared>> -> memref<10240xf32, #tpu.memory_space<vmem_shared>>
        tpu.wait_indirect_dma semaphore(%run_scoped3A_286 : memref<!tpu.dma_semaphore, #tpu.memory_space<semaphore_mem>>) src(%arg17 : memref<112xf32, #tpu.memory_space<vmem>>) dst(%dma_wait3A_296 : memref<10240xf32, #tpu.memory_space<vmem_shared>>)
        tpu.yield
      }) : () -> ()
      %add3A_225 = arith.constant 3 : i32
      %add3A_226 = arith.addi %add3A_216, %add3A_225 : i32
      %lt3A = arith.cmpi slt, %add3A_226, %select_n3A_8 : i32
      %convert_element_type3A_227 = arith.extui %lt3A : i1 to i32
      %cond3A_228 = arith.constant 0 : i32
      %cond3A_229 = arith.cmpi ne, %convert_element_type3A_227, %cond3A_228 : i32
      scf.if %cond3A_229 {
        %add3A_286 = arith.constant 3 : i32
        %add3A_287 = arith.addi %add3A_216, %add3A_286 : i32
        %add3A_288 = arith.addi %select_n3A, %add3A_287 : i32
        %mul3A_289 = arith.constant 112 : i32
        %mul3A_290 = arith.muli %add3A_288, %mul3A_289 : i32
        %add3A_291 = arith.constant 322560 : i32
        %add3A_292 = arith.addi %add3A_291, %mul3A_290 : i32
        %dma_start3A_293 = arith.constant 0 : i32
        %dma_start3A_294 = arith.constant 0 : i32
        %dma_start3A_295 = tpu.memref_slice %arg8[%dma_start3A_293, %dma_start3A_294] : memref<1x112xi32, #tpu.memory_space<vmem>> -> memref<1x112xi32, #tpu.memory_space<vmem>>
        %dma_start3A_296 = tpu.memref_squeeze %dma_start3A_295 : memref<1x112xi32, #tpu.memory_space<vmem>> -> memref<112xi32, #tpu.memory_space<vmem>>
        %dma_start3A_297 = tpu.memref_slice %arg3[%add3A_292] : memref<645120xi32, #tpu.memory_space<hbm>> -> memref<112xi32, #tpu.memory_space<hbm>>
        %dma_start3A_298 = arith.constant 0 : i32
        %dma_start3A_299 = tpu.memref_slice %arg8[%dma_start3A_293, %dma_start3A_298] : memref<1x112xi32, #tpu.memory_space<vmem>> -> memref<1x112xi32, #tpu.memory_space<vmem>>
        %dma_start3A_300 = tpu.memref_squeeze %dma_start3A_299 : memref<1x112xi32, #tpu.memory_space<vmem>> -> memref<112xi32, #tpu.memory_space<vmem>>
        %dma_start3A_301 = tpu.memref_slice %arg3[%add3A_292] : memref<645120xi32, #tpu.memory_space<hbm>> -> memref<112xi32, #tpu.memory_space<hbm>>
        tpu.enqueue_dma source(%dma_start3A_301 : memref<112xi32, #tpu.memory_space<hbm>>) target(%dma_start3A_300 : memref<112xi32, #tpu.memory_space<vmem>>) target_semaphore(%arg21 : memref<!tpu.dma_semaphore, #tpu.memory_space<semaphore_mem>>)
        %dma_start3A_302 = arith.constant 0 : i32
        %dma_start3A_303 = arith.constant 0 : i32
        %dma_start3A_304 = tpu.memref_slice %arg11[%dma_start3A_302, %dma_start3A_303] : memref<1x112xi32, #tpu.memory_space<vmem>> -> memref<1x112xi32, #tpu.memory_space<vmem>>
        %dma_start3A_305 = tpu.memref_squeeze %dma_start3A_304 : memref<1x112xi32, #tpu.memory_space<vmem>> -> memref<112xi32, #tpu.memory_space<vmem>>
        %dma_start3A_306 = tpu.memref_slice %arg3[%mul3A_290] : memref<645120xi32, #tpu.memory_space<hbm>> -> memref<112xi32, #tpu.memory_space<hbm>>
        %dma_start3A_307 = arith.constant 0 : i32
        %dma_start3A_308 = tpu.memref_slice %arg11[%dma_start3A_302, %dma_start3A_307] : memref<1x112xi32, #tpu.memory_space<vmem>> -> memref<1x112xi32, #tpu.memory_space<vmem>>
        %dma_start3A_309 = tpu.memref_squeeze %dma_start3A_308 : memref<1x112xi32, #tpu.memory_space<vmem>> -> memref<112xi32, #tpu.memory_space<vmem>>
        %dma_start3A_310 = tpu.memref_slice %arg3[%mul3A_290] : memref<645120xi32, #tpu.memory_space<hbm>> -> memref<112xi32, #tpu.memory_space<hbm>>
        tpu.enqueue_dma source(%dma_start3A_310 : memref<112xi32, #tpu.memory_space<hbm>>) target(%dma_start3A_309 : memref<112xi32, #tpu.memory_space<vmem>>) target_semaphore(%arg21 : memref<!tpu.dma_semaphore, #tpu.memory_space<semaphore_mem>>)
      } else {
      }
      %add3A_230 = arith.constant 2 : i32
      %add3A_231 = arith.addi %add3A_216, %add3A_230 : i32
      %lt3A_232 = arith.cmpi slt, %add3A_231, %select_n3A_8 : i32
      %convert_element_type3A_233 = arith.extui %lt3A_232 : i1 to i32
      %cond3A_234 = arith.constant 0 : i32
      %cond3A_235 = arith.cmpi ne, %convert_element_type3A_233, %cond3A_234 : i32
      scf.if %cond3A_235 {
        %add3A_286 = arith.constant 2 : i32
        %add3A_287 = arith.addi %add3A_216, %add3A_286 : i32
        %add3A_288 = arith.addi %select_n3A, %add3A_287 : i32
        %mul3A_289 = arith.constant 112 : i32
        %mul3A_290 = arith.muli %add3A_288, %mul3A_289 : i32
        %add3A_291 = arith.constant 322560 : i32
        %add3A_292 = arith.addi %add3A_291, %mul3A_290 : i32
        %dma_wait3A_293 = arith.constant 0 : i32
        %dma_wait3A_294 = arith.constant 0 : i32
        %dma_wait3A_295 = tpu.memref_slice %arg10[%dma_wait3A_293, %dma_wait3A_294] : memref<1x112xi32, #tpu.memory_space<vmem>> -> memref<1x112xi32, #tpu.memory_space<vmem>>
        %dma_wait3A_296 = tpu.memref_squeeze %dma_wait3A_295 : memref<1x112xi32, #tpu.memory_space<vmem>> -> memref<112xi32, #tpu.memory_space<vmem>>
        %dma_wait3A_297 = tpu.memref_slice %arg3[%add3A_292] : memref<645120xi32, #tpu.memory_space<hbm>> -> memref<112xi32, #tpu.memory_space<hbm>>
        %dma_wait3A_298 = arith.constant 0 : i32
        %dma_wait3A_299 = tpu.memref_slice %arg10[%dma_wait3A_293, %dma_wait3A_298] : memref<1x112xi32, #tpu.memory_space<vmem>> -> memref<1x112xi32, #tpu.memory_space<vmem>>
        %dma_wait3A_300 = tpu.memref_squeeze %dma_wait3A_299 : memref<1x112xi32, #tpu.memory_space<vmem>> -> memref<112xi32, #tpu.memory_space<vmem>>
        %dma_wait3A_301 = tpu.memref_slice %arg3[%add3A_292] : memref<645120xi32, #tpu.memory_space<hbm>> -> memref<112xi32, #tpu.memory_space<hbm>>
        tpu.wait_dma2 semaphore(%arg23 : memref<!tpu.dma_semaphore, #tpu.memory_space<semaphore_mem>>) src(%dma_wait3A_301 : memref<112xi32, #tpu.memory_space<hbm>>) dst(%dma_wait3A_300 : memref<112xi32, #tpu.memory_space<vmem>>)
        %dma_wait3A_302 = arith.constant 0 : i32
        %dma_wait3A_303 = arith.constant 0 : i32
        %dma_wait3A_304 = tpu.memref_slice %arg13[%dma_wait3A_302, %dma_wait3A_303] : memref<1x112xi32, #tpu.memory_space<vmem>> -> memref<1x112xi32, #tpu.memory_space<vmem>>
        %dma_wait3A_305 = tpu.memref_squeeze %dma_wait3A_304 : memref<1x112xi32, #tpu.memory_space<vmem>> -> memref<112xi32, #tpu.memory_space<vmem>>
        %dma_wait3A_306 = tpu.memref_slice %arg3[%mul3A_290] : memref<645120xi32, #tpu.memory_space<hbm>> -> memref<112xi32, #tpu.memory_space<hbm>>
        %dma_wait3A_307 = arith.constant 0 : i32
        %dma_wait3A_308 = tpu.memref_slice %arg13[%dma_wait3A_302, %dma_wait3A_307] : memref<1x112xi32, #tpu.memory_space<vmem>> -> memref<1x112xi32, #tpu.memory_space<vmem>>
        %dma_wait3A_309 = tpu.memref_squeeze %dma_wait3A_308 : memref<1x112xi32, #tpu.memory_space<vmem>> -> memref<112xi32, #tpu.memory_space<vmem>>
        %dma_wait3A_310 = tpu.memref_slice %arg3[%mul3A_290] : memref<645120xi32, #tpu.memory_space<hbm>> -> memref<112xi32, #tpu.memory_space<hbm>>
        tpu.wait_dma2 semaphore(%arg23 : memref<!tpu.dma_semaphore, #tpu.memory_space<semaphore_mem>>) src(%dma_wait3A_310 : memref<112xi32, #tpu.memory_space<hbm>>) dst(%dma_wait3A_309 : memref<112xi32, #tpu.memory_space<vmem>>)
        %dma_start3A_311 = arith.constant 0 : i32
        %dma_start3A_312 = arith.constant 0 : i32
        %dma_start3A_313 = tpu.memref_slice %arg10[%dma_start3A_311, %dma_start3A_312] : memref<1x112xi32, #tpu.memory_space<vmem>> -> memref<1x112xi32, #tpu.memory_space<vmem>>
        %dma_start3A_314 = tpu.memref_squeeze %dma_start3A_313 : memref<1x112xi32, #tpu.memory_space<vmem>> -> memref<112xi32, #tpu.memory_space<vmem>>
        %dma_start3A_315 = arith.constant 0 : i32
        %dma_start3A_316 = arith.constant 0 : i32
        %dma_start3A_317 = tpu.memref_slice %arg2[%dma_start3A_315, %dma_start3A_316] : memref<10000x128xf32, #tpu.memory_space<hbm>> -> memref<10000x128xf32, #tpu.memory_space<hbm>>
        tpu.enqueue_indirect_dma source(%dma_start3A_317 : memref<10000x128xf32, #tpu.memory_space<hbm>>) target(%arg16 : memref<112x128xf32, #tpu.memory_space<vmem>>) offsets(%dma_start3A_314 : memref<112xi32, #tpu.memory_space<vmem>>) semaphore(%arg26 : memref<!tpu.dma_semaphore, #tpu.memory_space<semaphore_mem>>)
      } else {
      }
      %mul3A_236 = arith.constant 3 : i32
      %mul3A_237 = arith.muli %add3A_212, %mul3A_236 : i32
      %add3A_238 = arith.constant 1 : i32
      %add3A_239 = arith.addi %mul3A_237, %add3A_238 : i32
      %dma_wait3A_240 = arith.constant 0 : i32
      %dma_wait3A_241 = arith.constant 0 : i32
      %dma_wait3A_242 = tpu.memref_slice %arg9[%dma_wait3A_240, %dma_wait3A_241] : memref<1x112xi32, #tpu.memory_space<vmem>> -> memref<1x112xi32, #tpu.memory_space<vmem>>
      %dma_wait3A_243 = tpu.memref_squeeze %dma_wait3A_242 : memref<1x112xi32, #tpu.memory_space<vmem>> -> memref<112xi32, #tpu.memory_space<vmem>>
      %dma_wait3A_244 = arith.constant 0 : i32
      %dma_wait3A_245 = arith.constant 0 : i32
      %dma_wait3A_246 = tpu.memref_slice %arg2[%dma_wait3A_244, %dma_wait3A_245] : memref<10000x128xf32, #tpu.memory_space<hbm>> -> memref<10000x128xf32, #tpu.memory_space<hbm>>
      tpu.wait_indirect_dma semaphore(%arg25 : memref<!tpu.dma_semaphore, #tpu.memory_space<semaphore_mem>>) src(%dma_wait3A_246 : memref<10000x128xf32, #tpu.memory_space<hbm>>) dst(%arg15 : memref<112x128xf32, #tpu.memory_space<vmem>>)
      %run_scoped3A_247 = arith.constant 0 : i32
      "tpu.region"() ({
        %run_scoped3A_286 = tpu.sem_alloc : memref<!tpu.dma_semaphore, #tpu.memory_space<semaphore_mem>>
        %dma_start3A_287 = arith.constant 0 : i32
        %dma_start3A_288 = tpu.memref_slice %arg12[%run_scoped3A_247, %dma_start3A_287] : memref<1x112xi32, #tpu.memory_space<vmem>> -> memref<1x112xi32, #tpu.memory_space<vmem>>
        %dma_start3A_289 = tpu.memref_squeeze %dma_start3A_288 : memref<1x112xi32, #tpu.memory_space<vmem>> -> memref<112xi32, #tpu.memory_space<vmem>>
        %dma_start3A_290 = arith.constant 0 : i32
        %dma_start3A_291 = arith.constant 0 : i32
        %dma_start3A_292 = tpu.memref_slice %arg19[%dma_start3A_290, %dma_start3A_291] : memref<10240x128xf32, #tpu.memory_space<vmem_shared>> -> memref<10240x128xf32, #tpu.memory_space<vmem_shared>>
        tpu.enqueue_indirect_dma source(%arg15 : memref<112x128xf32, #tpu.memory_space<vmem>>) target(%dma_start3A_292 : memref<10240x128xf32, #tpu.memory_space<vmem_shared>>) offsets(%dma_start3A_289 : memref<112xi32, #tpu.memory_space<vmem>>) semaphore(%run_scoped3A_286 : memref<!tpu.dma_semaphore, #tpu.memory_space<semaphore_mem>>) {add = true}
        %dma_wait3A_293 = arith.constant 0 : i32
        %dma_wait3A_294 = tpu.memref_slice %arg12[%run_scoped3A_247, %dma_wait3A_293] : memref<1x112xi32, #tpu.memory_space<vmem>> -> memref<1x112xi32, #tpu.memory_space<vmem>>
        %dma_wait3A_295 = tpu.memref_squeeze %dma_wait3A_294 : memref<1x112xi32, #tpu.memory_space<vmem>> -> memref<112xi32, #tpu.memory_space<vmem>>
        %dma_wait3A_296 = arith.constant 0 : i32
        %dma_wait3A_297 = arith.constant 0 : i32
        %dma_wait3A_298 = tpu.memref_slice %arg19[%dma_wait3A_296, %dma_wait3A_297] : memref<10240x128xf32, #tpu.memory_space<vmem_shared>> -> memref<10240x128xf32, #tpu.memory_space<vmem_shared>>
        tpu.wait_indirect_dma semaphore(%run_scoped3A_286 : memref<!tpu.dma_semaphore, #tpu.memory_space<semaphore_mem>>) src(%arg15 : memref<112x128xf32, #tpu.memory_space<vmem>>) dst(%dma_wait3A_298 : memref<10240x128xf32, #tpu.memory_space<vmem_shared>>)
        tpu.yield
      }) : () -> ()
      %run_scoped3A_248 = arith.constant 0 : i32
      "tpu.region"() ({
        %run_scoped3A_286 = tpu.sem_alloc : memref<!tpu.dma_semaphore, #tpu.memory_space<semaphore_mem>>
        %dma_start3A_287 = arith.constant 0 : i32
        %dma_start3A_288 = tpu.memref_slice %arg12[%run_scoped3A_248, %dma_start3A_287] : memref<1x112xi32, #tpu.memory_space<vmem>> -> memref<1x112xi32, #tpu.memory_space<vmem>>
        %dma_start3A_289 = tpu.memref_squeeze %dma_start3A_288 : memref<1x112xi32, #tpu.memory_space<vmem>> -> memref<112xi32, #tpu.memory_space<vmem>>
        %dma_start3A_290 = arith.constant 0 : i32
        %dma_start3A_291 = tpu.memref_slice %arg20[%dma_start3A_290] : memref<10240xf32, #tpu.memory_space<vmem_shared>> -> memref<10240xf32, #tpu.memory_space<vmem_shared>>
        tpu.enqueue_indirect_dma source(%arg17 : memref<112xf32, #tpu.memory_space<vmem>>) target(%dma_start3A_291 : memref<10240xf32, #tpu.memory_space<vmem_shared>>) offsets(%dma_start3A_289 : memref<112xi32, #tpu.memory_space<vmem>>) semaphore(%run_scoped3A_286 : memref<!tpu.dma_semaphore, #tpu.memory_space<semaphore_mem>>) {add = true}
        %dma_wait3A_292 = arith.constant 0 : i32
        %dma_wait3A_293 = tpu.memref_slice %arg12[%run_scoped3A_248, %dma_wait3A_292] : memref<1x112xi32, #tpu.memory_space<vmem>> -> memref<1x112xi32, #tpu.memory_space<vmem>>
        %dma_wait3A_294 = tpu.memref_squeeze %dma_wait3A_293 : memref<1x112xi32, #tpu.memory_space<vmem>> -> memref<112xi32, #tpu.memory_space<vmem>>
        %dma_wait3A_295 = arith.constant 0 : i32
        %dma_wait3A_296 = tpu.memref_slice %arg20[%dma_wait3A_295] : memref<10240xf32, #tpu.memory_space<vmem_shared>> -> memref<10240xf32, #tpu.memory_space<vmem_shared>>
        tpu.wait_indirect_dma semaphore(%run_scoped3A_286 : memref<!tpu.dma_semaphore, #tpu.memory_space<semaphore_mem>>) src(%arg17 : memref<112xf32, #tpu.memory_space<vmem>>) dst(%dma_wait3A_296 : memref<10240xf32, #tpu.memory_space<vmem_shared>>)
        tpu.yield
      }) : () -> ()
      %add3A_249 = arith.constant 3 : i32
      %add3A_250 = arith.addi %add3A_239, %add3A_249 : i32
      %lt3A_251 = arith.cmpi slt, %add3A_250, %select_n3A_8 : i32
      %convert_element_type3A_252 = arith.extui %lt3A_251 : i1 to i32
      %cond3A_253 = arith.constant 0 : i32
      %cond3A_254 = arith.cmpi ne, %convert_element_type3A_252, %cond3A_253 : i32
      scf.if %cond3A_254 {
        %add3A_286 = arith.constant 3 : i32
        %add3A_287 = arith.addi %add3A_239, %add3A_286 : i32
        %add3A_288 = arith.addi %select_n3A, %add3A_287 : i32
        %mul3A_289 = arith.constant 112 : i32
        %mul3A_290 = arith.muli %add3A_288, %mul3A_289 : i32
        %add3A_291 = arith.constant 322560 : i32
        %add3A_292 = arith.addi %add3A_291, %mul3A_290 : i32
        %dma_start3A_293 = arith.constant 0 : i32
        %dma_start3A_294 = arith.constant 0 : i32
        %dma_start3A_295 = tpu.memref_slice %arg9[%dma_start3A_293, %dma_start3A_294] : memref<1x112xi32, #tpu.memory_space<vmem>> -> memref<1x112xi32, #tpu.memory_space<vmem>>
        %dma_start3A_296 = tpu.memref_squeeze %dma_start3A_295 : memref<1x112xi32, #tpu.memory_space<vmem>> -> memref<112xi32, #tpu.memory_space<vmem>>
        %dma_start3A_297 = tpu.memref_slice %arg3[%add3A_292] : memref<645120xi32, #tpu.memory_space<hbm>> -> memref<112xi32, #tpu.memory_space<hbm>>
        %dma_start3A_298 = arith.constant 0 : i32
        %dma_start3A_299 = tpu.memref_slice %arg9[%dma_start3A_293, %dma_start3A_298] : memref<1x112xi32, #tpu.memory_space<vmem>> -> memref<1x112xi32, #tpu.memory_space<vmem>>
        %dma_start3A_300 = tpu.memref_squeeze %dma_start3A_299 : memref<1x112xi32, #tpu.memory_space<vmem>> -> memref<112xi32, #tpu.memory_space<vmem>>
        %dma_start3A_301 = tpu.memref_slice %arg3[%add3A_292] : memref<645120xi32, #tpu.memory_space<hbm>> -> memref<112xi32, #tpu.memory_space<hbm>>
        tpu.enqueue_dma source(%dma_start3A_301 : memref<112xi32, #tpu.memory_space<hbm>>) target(%dma_start3A_300 : memref<112xi32, #tpu.memory_space<vmem>>) target_semaphore(%arg22 : memref<!tpu.dma_semaphore, #tpu.memory_space<semaphore_mem>>)
        %dma_start3A_302 = arith.constant 0 : i32
        %dma_start3A_303 = arith.constant 0 : i32
        %dma_start3A_304 = tpu.memref_slice %arg12[%dma_start3A_302, %dma_start3A_303] : memref<1x112xi32, #tpu.memory_space<vmem>> -> memref<1x112xi32, #tpu.memory_space<vmem>>
        %dma_start3A_305 = tpu.memref_squeeze %dma_start3A_304 : memref<1x112xi32, #tpu.memory_space<vmem>> -> memref<112xi32, #tpu.memory_space<vmem>>
        %dma_start3A_306 = tpu.memref_slice %arg3[%mul3A_290] : memref<645120xi32, #tpu.memory_space<hbm>> -> memref<112xi32, #tpu.memory_space<hbm>>
        %dma_start3A_307 = arith.constant 0 : i32
        %dma_start3A_308 = tpu.memref_slice %arg12[%dma_start3A_302, %dma_start3A_307] : memref<1x112xi32, #tpu.memory_space<vmem>> -> memref<1x112xi32, #tpu.memory_space<vmem>>
        %dma_start3A_309 = tpu.memref_squeeze %dma_start3A_308 : memref<1x112xi32, #tpu.memory_space<vmem>> -> memref<112xi32, #tpu.memory_space<vmem>>
        %dma_start3A_310 = tpu.memref_slice %arg3[%mul3A_290] : memref<645120xi32, #tpu.memory_space<hbm>> -> memref<112xi32, #tpu.memory_space<hbm>>
        tpu.enqueue_dma source(%dma_start3A_310 : memref<112xi32, #tpu.memory_space<hbm>>) target(%dma_start3A_309 : memref<112xi32, #tpu.memory_space<vmem>>) target_semaphore(%arg22 : memref<!tpu.dma_semaphore, #tpu.memory_space<semaphore_mem>>)
      } else {
      }
      %add3A_255 = arith.constant 2 : i32
      %add3A_256 = arith.addi %add3A_239, %add3A_255 : i32
      %lt3A_257 = arith.cmpi slt, %add3A_256, %select_n3A_8 : i32
      %convert_element_type3A_258 = arith.extui %lt3A_257 : i1 to i32
      %cond3A_259 = arith.constant 0 : i32
      %cond3A_260 = arith.cmpi ne, %convert_element_type3A_258, %cond3A_259 : i32
      scf.if %cond3A_260 {
        %add3A_286 = arith.constant 2 : i32
        %add3A_287 = arith.addi %add3A_239, %add3A_286 : i32
        %add3A_288 = arith.addi %select_n3A, %add3A_287 : i32
        %mul3A_289 = arith.constant 112 : i32
        %mul3A_290 = arith.muli %add3A_288, %mul3A_289 : i32
        %add3A_291 = arith.constant 322560 : i32
        %add3A_292 = arith.addi %add3A_291, %mul3A_290 : i32
        %dma_wait3A_293 = arith.constant 0 : i32
        %dma_wait3A_294 = arith.constant 0 : i32
        %dma_wait3A_295 = tpu.memref_slice %arg8[%dma_wait3A_293, %dma_wait3A_294] : memref<1x112xi32, #tpu.memory_space<vmem>> -> memref<1x112xi32, #tpu.memory_space<vmem>>
        %dma_wait3A_296 = tpu.memref_squeeze %dma_wait3A_295 : memref<1x112xi32, #tpu.memory_space<vmem>> -> memref<112xi32, #tpu.memory_space<vmem>>
        %dma_wait3A_297 = tpu.memref_slice %arg3[%add3A_292] : memref<645120xi32, #tpu.memory_space<hbm>> -> memref<112xi32, #tpu.memory_space<hbm>>
        %dma_wait3A_298 = arith.constant 0 : i32
        %dma_wait3A_299 = tpu.memref_slice %arg8[%dma_wait3A_293, %dma_wait3A_298] : memref<1x112xi32, #tpu.memory_space<vmem>> -> memref<1x112xi32, #tpu.memory_space<vmem>>
        %dma_wait3A_300 = tpu.memref_squeeze %dma_wait3A_299 : memref<1x112xi32, #tpu.memory_space<vmem>> -> memref<112xi32, #tpu.memory_space<vmem>>
        %dma_wait3A_301 = tpu.memref_slice %arg3[%add3A_292] : memref<645120xi32, #tpu.memory_space<hbm>> -> memref<112xi32, #tpu.memory_space<hbm>>
        tpu.wait_dma2 semaphore(%arg21 : memref<!tpu.dma_semaphore, #tpu.memory_space<semaphore_mem>>) src(%dma_wait3A_301 : memref<112xi32, #tpu.memory_space<hbm>>) dst(%dma_wait3A_300 : memref<112xi32, #tpu.memory_space<vmem>>)
        %dma_wait3A_302 = arith.constant 0 : i32
        %dma_wait3A_303 = arith.constant 0 : i32
        %dma_wait3A_304 = tpu.memref_slice %arg11[%dma_wait3A_302, %dma_wait3A_303] : memref<1x112xi32, #tpu.memory_space<vmem>> -> memref<1x112xi32, #tpu.memory_space<vmem>>
        %dma_wait3A_305 = tpu.memref_squeeze %dma_wait3A_304 : memref<1x112xi32, #tpu.memory_space<vmem>> -> memref<112xi32, #tpu.memory_space<vmem>>
        %dma_wait3A_306 = tpu.memref_slice %arg3[%mul3A_290] : memref<645120xi32, #tpu.memory_space<hbm>> -> memref<112xi32, #tpu.memory_space<hbm>>
        %dma_wait3A_307 = arith.constant 0 : i32
        %dma_wait3A_308 = tpu.memref_slice %arg11[%dma_wait3A_302, %dma_wait3A_307] : memref<1x112xi32, #tpu.memory_space<vmem>> -> memref<1x112xi32, #tpu.memory_space<vmem>>
        %dma_wait3A_309 = tpu.memref_squeeze %dma_wait3A_308 : memref<1x112xi32, #tpu.memory_space<vmem>> -> memref<112xi32, #tpu.memory_space<vmem>>
        %dma_wait3A_310 = tpu.memref_slice %arg3[%mul3A_290] : memref<645120xi32, #tpu.memory_space<hbm>> -> memref<112xi32, #tpu.memory_space<hbm>>
        tpu.wait_dma2 semaphore(%arg21 : memref<!tpu.dma_semaphore, #tpu.memory_space<semaphore_mem>>) src(%dma_wait3A_310 : memref<112xi32, #tpu.memory_space<hbm>>) dst(%dma_wait3A_309 : memref<112xi32, #tpu.memory_space<vmem>>)
        %dma_start3A_311 = arith.constant 0 : i32
        %dma_start3A_312 = arith.constant 0 : i32
        %dma_start3A_313 = tpu.memref_slice %arg8[%dma_start3A_311, %dma_start3A_312] : memref<1x112xi32, #tpu.memory_space<vmem>> -> memref<1x112xi32, #tpu.memory_space<vmem>>
        %dma_start3A_314 = tpu.memref_squeeze %dma_start3A_313 : memref<1x112xi32, #tpu.memory_space<vmem>> -> memref<112xi32, #tpu.memory_space<vmem>>
        %dma_start3A_315 = arith.constant 0 : i32
        %dma_start3A_316 = arith.constant 0 : i32
        %dma_start3A_317 = tpu.memref_slice %arg2[%dma_start3A_315, %dma_start3A_316] : memref<10000x128xf32, #tpu.memory_space<hbm>> -> memref<10000x128xf32, #tpu.memory_space<hbm>>
        tpu.enqueue_indirect_dma source(%dma_start3A_317 : memref<10000x128xf32, #tpu.memory_space<hbm>>) target(%arg14 : memref<112x128xf32, #tpu.memory_space<vmem>>) offsets(%dma_start3A_314 : memref<112xi32, #tpu.memory_space<vmem>>) semaphore(%arg24 : memref<!tpu.dma_semaphore, #tpu.memory_space<semaphore_mem>>)
      } else {
      }
      %mul3A_261 = arith.constant 3 : i32
      %mul3A_262 = arith.muli %add3A_212, %mul3A_261 : i32
      %add3A_263 = arith.constant 2 : i32
      %add3A_264 = arith.addi %mul3A_262, %add3A_263 : i32
      %dma_wait3A_265 = arith.constant 0 : i32
      %dma_wait3A_266 = arith.constant 0 : i32
      %dma_wait3A_267 = tpu.memref_slice %arg10[%dma_wait3A_265, %dma_wait3A_266] : memref<1x112xi32, #tpu.memory_space<vmem>> -> memref<1x112xi32, #tpu.memory_space<vmem>>
      %dma_wait3A_268 = tpu.memref_squeeze %dma_wait3A_267 : memref<1x112xi32, #tpu.memory_space<vmem>> -> memref<112xi32, #tpu.memory_space<vmem>>
      %dma_wait3A_269 = arith.constant 0 : i32
      %dma_wait3A_270 = arith.constant 0 : i32
      %dma_wait3A_271 = tpu.memref_slice %arg2[%dma_wait3A_269, %dma_wait3A_270] : memref<10000x128xf32, #tpu.memory_space<hbm>> -> memref<10000x128xf32, #tpu.memory_space<hbm>>
      tpu.wait_indirect_dma semaphore(%arg26 : memref<!tpu.dma_semaphore, #tpu.memory_space<semaphore_mem>>) src(%dma_wait3A_271 : memref<10000x128xf32, #tpu.memory_space<hbm>>) dst(%arg16 : memref<112x128xf32, #tpu.memory_space<vmem>>)
      %run_scoped3A_272 = arith.constant 0 : i32
      "tpu.region"() ({
        %run_scoped3A_286 = tpu.sem_alloc : memref<!tpu.dma_semaphore, #tpu.memory_space<semaphore_mem>>
        %dma_start3A_287 = arith.constant 0 : i32
        %dma_start3A_288 = tpu.memref_slice %arg13[%run_scoped3A_272, %dma_start3A_287] : memref<1x112xi32, #tpu.memory_space<vmem>> -> memref<1x112xi32, #tpu.memory_space<vmem>>
        %dma_start3A_289 = tpu.memref_squeeze %dma_start3A_288 : memref<1x112xi32, #tpu.memory_space<vmem>> -> memref<112xi32, #tpu.memory_space<vmem>>
        %dma_start3A_290 = arith.constant 0 : i32
        %dma_start3A_291 = arith.constant 0 : i32
        %dma_start3A_292 = tpu.memref_slice %arg19[%dma_start3A_290, %dma_start3A_291] : memref<10240x128xf32, #tpu.memory_space<vmem_shared>> -> memref<10240x128xf32, #tpu.memory_space<vmem_shared>>
        tpu.enqueue_indirect_dma source(%arg16 : memref<112x128xf32, #tpu.memory_space<vmem>>) target(%dma_start3A_292 : memref<10240x128xf32, #tpu.memory_space<vmem_shared>>) offsets(%dma_start3A_289 : memref<112xi32, #tpu.memory_space<vmem>>) semaphore(%run_scoped3A_286 : memref<!tpu.dma_semaphore, #tpu.memory_space<semaphore_mem>>) {add = true}
        %dma_wait3A_293 = arith.constant 0 : i32
        %dma_wait3A_294 = tpu.memref_slice %arg13[%run_scoped3A_272, %dma_wait3A_293] : memref<1x112xi32, #tpu.memory_space<vmem>> -> memref<1x112xi32, #tpu.memory_space<vmem>>
        %dma_wait3A_295 = tpu.memref_squeeze %dma_wait3A_294 : memref<1x112xi32, #tpu.memory_space<vmem>> -> memref<112xi32, #tpu.memory_space<vmem>>
        %dma_wait3A_296 = arith.constant 0 : i32
        %dma_wait3A_297 = arith.constant 0 : i32
        %dma_wait3A_298 = tpu.memref_slice %arg19[%dma_wait3A_296, %dma_wait3A_297] : memref<10240x128xf32, #tpu.memory_space<vmem_shared>> -> memref<10240x128xf32, #tpu.memory_space<vmem_shared>>
        tpu.wait_indirect_dma semaphore(%run_scoped3A_286 : memref<!tpu.dma_semaphore, #tpu.memory_space<semaphore_mem>>) src(%arg16 : memref<112x128xf32, #tpu.memory_space<vmem>>) dst(%dma_wait3A_298 : memref<10240x128xf32, #tpu.memory_space<vmem_shared>>)
        tpu.yield
      }) : () -> ()
      %run_scoped3A_273 = arith.constant 0 : i32
      "tpu.region"() ({
        %run_scoped3A_286 = tpu.sem_alloc : memref<!tpu.dma_semaphore, #tpu.memory_space<semaphore_mem>>
        %dma_start3A_287 = arith.constant 0 : i32
        %dma_start3A_288 = tpu.memref_slice %arg13[%run_scoped3A_273, %dma_start3A_287] : memref<1x112xi32, #tpu.memory_space<vmem>> -> memref<1x112xi32, #tpu.memory_space<vmem>>
        %dma_start3A_289 = tpu.memref_squeeze %dma_start3A_288 : memref<1x112xi32, #tpu.memory_space<vmem>> -> memref<112xi32, #tpu.memory_space<vmem>>
        %dma_start3A_290 = arith.constant 0 : i32
        %dma_start3A_291 = tpu.memref_slice %arg20[%dma_start3A_290] : memref<10240xf32, #tpu.memory_space<vmem_shared>> -> memref<10240xf32, #tpu.memory_space<vmem_shared>>
        tpu.enqueue_indirect_dma source(%arg17 : memref<112xf32, #tpu.memory_space<vmem>>) target(%dma_start3A_291 : memref<10240xf32, #tpu.memory_space<vmem_shared>>) offsets(%dma_start3A_289 : memref<112xi32, #tpu.memory_space<vmem>>) semaphore(%run_scoped3A_286 : memref<!tpu.dma_semaphore, #tpu.memory_space<semaphore_mem>>) {add = true}
        %dma_wait3A_292 = arith.constant 0 : i32
        %dma_wait3A_293 = tpu.memref_slice %arg13[%run_scoped3A_273, %dma_wait3A_292] : memref<1x112xi32, #tpu.memory_space<vmem>> -> memref<1x112xi32, #tpu.memory_space<vmem>>
        %dma_wait3A_294 = tpu.memref_squeeze %dma_wait3A_293 : memref<1x112xi32, #tpu.memory_space<vmem>> -> memref<112xi32, #tpu.memory_space<vmem>>
        %dma_wait3A_295 = arith.constant 0 : i32
        %dma_wait3A_296 = tpu.memref_slice %arg20[%dma_wait3A_295] : memref<10240xf32, #tpu.memory_space<vmem_shared>> -> memref<10240xf32, #tpu.memory_space<vmem_shared>>
        tpu.wait_indirect_dma semaphore(%run_scoped3A_286 : memref<!tpu.dma_semaphore, #tpu.memory_space<semaphore_mem>>) src(%arg17 : memref<112xf32, #tpu.memory_space<vmem>>) dst(%dma_wait3A_296 : memref<10240xf32, #tpu.memory_space<vmem_shared>>)
        tpu.yield
      }) : () -> ()
      %add3A_274 = arith.constant 3 : i32
      %add3A_275 = arith.addi %add3A_264, %add3A_274 : i32
      %lt3A_276 = arith.cmpi slt, %add3A_275, %select_n3A_8 : i32
      %convert_element_type3A_277 = arith.extui %lt3A_276 : i1 to i32
      %cond3A_278 = arith.constant 0 : i32
      %cond3A_279 = arith.cmpi ne, %convert_element_type3A_277, %cond3A_278 : i32
      scf.if %cond3A_279 {
        %add3A_286 = arith.constant 3 : i32
        %add3A_287 = arith.addi %add3A_264, %add3A_286 : i32
        %add3A_288 = arith.addi %select_n3A, %add3A_287 : i32
        %mul3A_289 = arith.constant 112 : i32
        %mul3A_290 = arith.muli %add3A_288, %mul3A_289 : i32
        %add3A_291 = arith.constant 322560 : i32
        %add3A_292 = arith.addi %add3A_291, %mul3A_290 : i32
        %dma_start3A_293 = arith.constant 0 : i32
        %dma_start3A_294 = arith.constant 0 : i32
        %dma_start3A_295 = tpu.memref_slice %arg10[%dma_start3A_293, %dma_start3A_294] : memref<1x112xi32, #tpu.memory_space<vmem>> -> memref<1x112xi32, #tpu.memory_space<vmem>>
        %dma_start3A_296 = tpu.memref_squeeze %dma_start3A_295 : memref<1x112xi32, #tpu.memory_space<vmem>> -> memref<112xi32, #tpu.memory_space<vmem>>
        %dma_start3A_297 = tpu.memref_slice %arg3[%add3A_292] : memref<645120xi32, #tpu.memory_space<hbm>> -> memref<112xi32, #tpu.memory_space<hbm>>
        %dma_start3A_298 = arith.constant 0 : i32
        %dma_start3A_299 = tpu.memref_slice %arg10[%dma_start3A_293, %dma_start3A_298] : memref<1x112xi32, #tpu.memory_space<vmem>> -> memref<1x112xi32, #tpu.memory_space<vmem>>
        %dma_start3A_300 = tpu.memref_squeeze %dma_start3A_299 : memref<1x112xi32, #tpu.memory_space<vmem>> -> memref<112xi32, #tpu.memory_space<vmem>>
        %dma_start3A_301 = tpu.memref_slice %arg3[%add3A_292] : memref<645120xi32, #tpu.memory_space<hbm>> -> memref<112xi32, #tpu.memory_space<hbm>>
        tpu.enqueue_dma source(%dma_start3A_301 : memref<112xi32, #tpu.memory_space<hbm>>) target(%dma_start3A_300 : memref<112xi32, #tpu.memory_space<vmem>>) target_semaphore(%arg23 : memref<!tpu.dma_semaphore, #tpu.memory_space<semaphore_mem>>)
        %dma_start3A_302 = arith.constant 0 : i32
        %dma_start3A_303 = arith.constant 0 : i32
        %dma_start3A_304 = tpu.memref_slice %arg13[%dma_start3A_302, %dma_start3A_303] : memref<1x112xi32, #tpu.memory_space<vmem>> -> memref<1x112xi32, #tpu.memory_space<vmem>>
        %dma_start3A_305 = tpu.memref_squeeze %dma_start3A_304 : memref<1x112xi32, #tpu.memory_space<vmem>> -> memref<112xi32, #tpu.memory_space<vmem>>
        %dma_start3A_306 = tpu.memref_slice %arg3[%mul3A_290] : memref<645120xi32, #tpu.memory_space<hbm>> -> memref<112xi32, #tpu.memory_space<hbm>>
        %dma_start3A_307 = arith.constant 0 : i32
        %dma_start3A_308 = tpu.memref_slice %arg13[%dma_start3A_302, %dma_start3A_307] : memref<1x112xi32, #tpu.memory_space<vmem>> -> memref<1x112xi32, #tpu.memory_space<vmem>>
        %dma_start3A_309 = tpu.memref_squeeze %dma_start3A_308 : memref<1x112xi32, #tpu.memory_space<vmem>> -> memref<112xi32, #tpu.memory_space<vmem>>
        %dma_start3A_310 = tpu.memref_slice %arg3[%mul3A_290] : memref<645120xi32, #tpu.memory_space<hbm>> -> memref<112xi32, #tpu.memory_space<hbm>>
        tpu.enqueue_dma source(%dma_start3A_310 : memref<112xi32, #tpu.memory_space<hbm>>) target(%dma_start3A_309 : memref<112xi32, #tpu.memory_space<vmem>>) target_semaphore(%arg23 : memref<!tpu.dma_semaphore, #tpu.memory_space<semaphore_mem>>)
      } else {
      }
      %add3A_280 = arith.constant 2 : i32
      %add3A_281 = arith.addi %add3A_264, %add3A_280 : i32
      %lt3A_282 = arith.cmpi slt, %add3A_281, %select_n3A_8 : i32
      %convert_element_type3A_283 = arith.extui %lt3A_282 : i1 to i32
      %cond3A_284 = arith.constant 0 : i32
      %cond3A_285 = arith.cmpi ne, %convert_element_type3A_283, %cond3A_284 : i32
      scf.if %cond3A_285 {
        %add3A_286 = arith.constant 2 : i32
        %add3A_287 = arith.addi %add3A_264, %add3A_286 : i32
        %add3A_288 = arith.addi %select_n3A, %add3A_287 : i32
        %mul3A_289 = arith.constant 112 : i32
        %mul3A_290 = arith.muli %add3A_288, %mul3A_289 : i32
        %add3A_291 = arith.constant 322560 : i32
        %add3A_292 = arith.addi %add3A_291, %mul3A_290 : i32
        %dma_wait3A_293 = arith.constant 0 : i32
        %dma_wait3A_294 = arith.constant 0 : i32
        %dma_wait3A_295 = tpu.memref_slice %arg9[%dma_wait3A_293, %dma_wait3A_294] : memref<1x112xi32, #tpu.memory_space<vmem>> -> memref<1x112xi32, #tpu.memory_space<vmem>>
        %dma_wait3A_296 = tpu.memref_squeeze %dma_wait3A_295 : memref<1x112xi32, #tpu.memory_space<vmem>> -> memref<112xi32, #tpu.memory_space<vmem>>
        %dma_wait3A_297 = tpu.memref_slice %arg3[%add3A_292] : memref<645120xi32, #tpu.memory_space<hbm>> -> memref<112xi32, #tpu.memory_space<hbm>>
        %dma_wait3A_298 = arith.constant 0 : i32
        %dma_wait3A_299 = tpu.memref_slice %arg9[%dma_wait3A_293, %dma_wait3A_298] : memref<1x112xi32, #tpu.memory_space<vmem>> -> memref<1x112xi32, #tpu.memory_space<vmem>>
        %dma_wait3A_300 = tpu.memref_squeeze %dma_wait3A_299 : memref<1x112xi32, #tpu.memory_space<vmem>> -> memref<112xi32, #tpu.memory_space<vmem>>
        %dma_wait3A_301 = tpu.memref_slice %arg3[%add3A_292] : memref<645120xi32, #tpu.memory_space<hbm>> -> memref<112xi32, #tpu.memory_space<hbm>>
        tpu.wait_dma2 semaphore(%arg22 : memref<!tpu.dma_semaphore, #tpu.memory_space<semaphore_mem>>) src(%dma_wait3A_301 : memref<112xi32, #tpu.memory_space<hbm>>) dst(%dma_wait3A_300 : memref<112xi32, #tpu.memory_space<vmem>>)
        %dma_wait3A_302 = arith.constant 0 : i32
        %dma_wait3A_303 = arith.constant 0 : i32
        %dma_wait3A_304 = tpu.memref_slice %arg12[%dma_wait3A_302, %dma_wait3A_303] : memref<1x112xi32, #tpu.memory_space<vmem>> -> memref<1x112xi32, #tpu.memory_space<vmem>>
        %dma_wait3A_305 = tpu.memref_squeeze %dma_wait3A_304 : memref<1x112xi32, #tpu.memory_space<vmem>> -> memref<112xi32, #tpu.memory_space<vmem>>
        %dma_wait3A_306 = tpu.memref_slice %arg3[%mul3A_290] : memref<645120xi32, #tpu.memory_space<hbm>> -> memref<112xi32, #tpu.memory_space<hbm>>
        %dma_wait3A_307 = arith.constant 0 : i32
        %dma_wait3A_308 = tpu.memref_slice %arg12[%dma_wait3A_302, %dma_wait3A_307] : memref<1x112xi32, #tpu.memory_space<vmem>> -> memref<1x112xi32, #tpu.memory_space<vmem>>
        %dma_wait3A_309 = tpu.memref_squeeze %dma_wait3A_308 : memref<1x112xi32, #tpu.memory_space<vmem>> -> memref<112xi32, #tpu.memory_space<vmem>>
        %dma_wait3A_310 = tpu.memref_slice %arg3[%mul3A_290] : memref<645120xi32, #tpu.memory_space<hbm>> -> memref<112xi32, #tpu.memory_space<hbm>>
        tpu.wait_dma2 semaphore(%arg22 : memref<!tpu.dma_semaphore, #tpu.memory_space<semaphore_mem>>) src(%dma_wait3A_310 : memref<112xi32, #tpu.memory_space<hbm>>) dst(%dma_wait3A_309 : memref<112xi32, #tpu.memory_space<vmem>>)
        %dma_start3A_311 = arith.constant 0 : i32
        %dma_start3A_312 = arith.constant 0 : i32
        %dma_start3A_313 = tpu.memref_slice %arg9[%dma_start3A_311, %dma_start3A_312] : memref<1x112xi32, #tpu.memory_space<vmem>> -> memref<1x112xi32, #tpu.memory_space<vmem>>
        %dma_start3A_314 = tpu.memref_squeeze %dma_start3A_313 : memref<1x112xi32, #tpu.memory_space<vmem>> -> memref<112xi32, #tpu.memory_space<vmem>>
        %dma_start3A_315 = arith.constant 0 : i32
        %dma_start3A_316 = arith.constant 0 : i32
        %dma_start3A_317 = tpu.memref_slice %arg2[%dma_start3A_315, %dma_start3A_316] : memref<10000x128xf32, #tpu.memory_space<hbm>> -> memref<10000x128xf32, #tpu.memory_space<hbm>>
        tpu.enqueue_indirect_dma source(%dma_start3A_317 : memref<10000x128xf32, #tpu.memory_space<hbm>>) target(%arg15 : memref<112x128xf32, #tpu.memory_space<vmem>>) offsets(%dma_start3A_314 : memref<112xi32, #tpu.memory_space<vmem>>) semaphore(%arg25 : memref<!tpu.dma_semaphore, #tpu.memory_space<semaphore_mem>>)
      } else {
      }
    }
    %while3A_200 = arith.constant 1 : i32
    scf.for %while3A_210 = %while3A_198 to %while3A_194 step %while3A_200  : i32 {
      %mul3A_211 = arith.muli %while3A_210, %while3A : i32
      %add3A_212 = arith.addi %while3A_191, %mul3A_211 : i32
      %mul3A_213 = arith.constant 3 : i32
      %mul3A_214 = arith.muli %add3A_212, %mul3A_213 : i32
      %add3A_215 = arith.constant 0 : i32
      %add3A_216 = arith.addi %mul3A_214, %add3A_215 : i32
      %dma_wait3A_217 = arith.constant 0 : i32
      %dma_wait3A_218 = arith.constant 0 : i32
      %dma_wait3A_219 = tpu.memref_slice %arg8[%dma_wait3A_217, %dma_wait3A_218] : memref<1x112xi32, #tpu.memory_space<vmem>> -> memref<1x112xi32, #tpu.memory_space<vmem>>
      %dma_wait3A_220 = tpu.memref_squeeze %dma_wait3A_219 : memref<1x112xi32, #tpu.memory_space<vmem>> -> memref<112xi32, #tpu.memory_space<vmem>>
      %dma_wait3A_221 = arith.constant 0 : i32
      %dma_wait3A_222 = arith.constant 0 : i32
      %dma_wait3A_223 = tpu.memref_slice %arg2[%dma_wait3A_221, %dma_wait3A_222] : memref<10000x128xf32, #tpu.memory_space<hbm>> -> memref<10000x128xf32, #tpu.memory_space<hbm>>
      tpu.wait_indirect_dma semaphore(%arg24 : memref<!tpu.dma_semaphore, #tpu.memory_space<semaphore_mem>>) src(%dma_wait3A_223 : memref<10000x128xf32, #tpu.memory_space<hbm>>) dst(%arg14 : memref<112x128xf32, #tpu.memory_space<vmem>>)
      %run_scoped3A = arith.constant 0 : i32
      "tpu.region"() ({
        %run_scoped3A_286 = tpu.sem_alloc : memref<!tpu.dma_semaphore, #tpu.memory_space<semaphore_mem>>
        %dma_start3A_287 = arith.constant 0 : i32
        %dma_start3A_288 = tpu.memref_slice %arg11[%run_scoped3A, %dma_start3A_287] : memref<1x112xi32, #tpu.memory_space<vmem>> -> memref<1x112xi32, #tpu.memory_space<vmem>>
        %dma_start3A_289 = tpu.memref_squeeze %dma_start3A_288 : memref<1x112xi32, #tpu.memory_space<vmem>> -> memref<112xi32, #tpu.memory_space<vmem>>
        %dma_start3A_290 = arith.constant 0 : i32
        %dma_start3A_291 = arith.constant 0 : i32
        %dma_start3A_292 = tpu.memref_slice %arg19[%dma_start3A_290, %dma_start3A_291] : memref<10240x128xf32, #tpu.memory_space<vmem_shared>> -> memref<10240x128xf32, #tpu.memory_space<vmem_shared>>
        tpu.enqueue_indirect_dma source(%arg14 : memref<112x128xf32, #tpu.memory_space<vmem>>) target(%dma_start3A_292 : memref<10240x128xf32, #tpu.memory_space<vmem_shared>>) offsets(%dma_start3A_289 : memref<112xi32, #tpu.memory_space<vmem>>) semaphore(%run_scoped3A_286 : memref<!tpu.dma_semaphore, #tpu.memory_space<semaphore_mem>>) {add = true}
        %dma_wait3A_293 = arith.constant 0 : i32
        %dma_wait3A_294 = tpu.memref_slice %arg11[%run_scoped3A, %dma_wait3A_293] : memref<1x112xi32, #tpu.memory_space<vmem>> -> memref<1x112xi32, #tpu.memory_space<vmem>>
        %dma_wait3A_295 = tpu.memref_squeeze %dma_wait3A_294 : memref<1x112xi32, #tpu.memory_space<vmem>> -> memref<112xi32, #tpu.memory_space<vmem>>
        %dma_wait3A_296 = arith.constant 0 : i32
        %dma_wait3A_297 = arith.constant 0 : i32
        %dma_wait3A_298 = tpu.memref_slice %arg19[%dma_wait3A_296, %dma_wait3A_297] : memref<10240x128xf32, #tpu.memory_space<vmem_shared>> -> memref<10240x128xf32, #tpu.memory_space<vmem_shared>>
        tpu.wait_indirect_dma semaphore(%run_scoped3A_286 : memref<!tpu.dma_semaphore, #tpu.memory_space<semaphore_mem>>) src(%arg14 : memref<112x128xf32, #tpu.memory_space<vmem>>) dst(%dma_wait3A_298 : memref<10240x128xf32, #tpu.memory_space<vmem_shared>>)
        tpu.yield
      }) : () -> ()
      %run_scoped3A_224 = arith.constant 0 : i32
      "tpu.region"() ({
        %run_scoped3A_286 = tpu.sem_alloc : memref<!tpu.dma_semaphore, #tpu.memory_space<semaphore_mem>>
        %dma_start3A_287 = arith.constant 0 : i32
        %dma_start3A_288 = tpu.memref_slice %arg11[%run_scoped3A_224, %dma_start3A_287] : memref<1x112xi32, #tpu.memory_space<vmem>> -> memref<1x112xi32, #tpu.memory_space<vmem>>
        %dma_start3A_289 = tpu.memref_squeeze %dma_start3A_288 : memref<1x112xi32, #tpu.memory_space<vmem>> -> memref<112xi32, #tpu.memory_space<vmem>>
        %dma_start3A_290 = arith.constant 0 : i32
        %dma_start3A_291 = tpu.memref_slice %arg20[%dma_start3A_290] : memref<10240xf32, #tpu.memory_space<vmem_shared>> -> memref<10240xf32, #tpu.memory_space<vmem_shared>>
        tpu.enqueue_indirect_dma source(%arg17 : memref<112xf32, #tpu.memory_space<vmem>>) target(%dma_start3A_291 : memref<10240xf32, #tpu.memory_space<vmem_shared>>) offsets(%dma_start3A_289 : memref<112xi32, #tpu.memory_space<vmem>>) semaphore(%run_scoped3A_286 : memref<!tpu.dma_semaphore, #tpu.memory_space<semaphore_mem>>) {add = true}
        %dma_wait3A_292 = arith.constant 0 : i32
        %dma_wait3A_293 = tpu.memref_slice %arg11[%run_scoped3A_224, %dma_wait3A_292] : memref<1x112xi32, #tpu.memory_space<vmem>> -> memref<1x112xi32, #tpu.memory_space<vmem>>
        %dma_wait3A_294 = tpu.memref_squeeze %dma_wait3A_293 : memref<1x112xi32, #tpu.memory_space<vmem>> -> memref<112xi32, #tpu.memory_space<vmem>>
        %dma_wait3A_295 = arith.constant 0 : i32
        %dma_wait3A_296 = tpu.memref_slice %arg20[%dma_wait3A_295] : memref<10240xf32, #tpu.memory_space<vmem_shared>> -> memref<10240xf32, #tpu.memory_space<vmem_shared>>
        tpu.wait_indirect_dma semaphore(%run_scoped3A_286 : memref<!tpu.dma_semaphore, #tpu.memory_space<semaphore_mem>>) src(%arg17 : memref<112xf32, #tpu.memory_space<vmem>>) dst(%dma_wait3A_296 : memref<10240xf32, #tpu.memory_space<vmem_shared>>)
        tpu.yield
      }) : () -> ()
      %add3A_225 = arith.constant 3 : i32
      %add3A_226 = arith.addi %add3A_216, %add3A_225 : i32
      %lt3A = arith.cmpi slt, %add3A_226, %select_n3A_8 : i32
      %convert_element_type3A_227 = arith.extui %lt3A : i1 to i32
      %cond3A_228 = arith.constant 0 : i32
      %cond3A_229 = arith.cmpi ne, %convert_element_type3A_227, %cond3A_228 : i32
      scf.if %cond3A_229 {
        %add3A_286 = arith.constant 3 : i32
        %add3A_287 = arith.addi %add3A_216, %add3A_286 : i32
        %add3A_288 = arith.addi %select_n3A, %add3A_287 : i32
        %mul3A_289 = arith.constant 112 : i32
        %mul3A_290 = arith.muli %add3A_288, %mul3A_289 : i32
        %add3A_291 = arith.constant 322560 : i32
        %add3A_292 = arith.addi %add3A_291, %mul3A_290 : i32
        %dma_start3A_293 = arith.constant 0 : i32
        %dma_start3A_294 = arith.constant 0 : i32
        %dma_start3A_295 = tpu.memref_slice %arg8[%dma_start3A_293, %dma_start3A_294] : memref<1x112xi32, #tpu.memory_space<vmem>> -> memref<1x112xi32, #tpu.memory_space<vmem>>
        %dma_start3A_296 = tpu.memref_squeeze %dma_start3A_295 : memref<1x112xi32, #tpu.memory_space<vmem>> -> memref<112xi32, #tpu.memory_space<vmem>>
        %dma_start3A_297 = tpu.memref_slice %arg3[%add3A_292] : memref<645120xi32, #tpu.memory_space<hbm>> -> memref<112xi32, #tpu.memory_space<hbm>>
        %dma_start3A_298 = arith.constant 0 : i32
        %dma_start3A_299 = tpu.memref_slice %arg8[%dma_start3A_293, %dma_start3A_298] : memref<1x112xi32, #tpu.memory_space<vmem>> -> memref<1x112xi32, #tpu.memory_space<vmem>>
        %dma_start3A_300 = tpu.memref_squeeze %dma_start3A_299 : memref<1x112xi32, #tpu.memory_space<vmem>> -> memref<112xi32, #tpu.memory_space<vmem>>
        %dma_start3A_301 = tpu.memref_slice %arg3[%add3A_292] : memref<645120xi32, #tpu.memory_space<hbm>> -> memref<112xi32, #tpu.memory_space<hbm>>
        tpu.enqueue_dma source(%dma_start3A_301 : memref<112xi32, #tpu.memory_space<hbm>>) target(%dma_start3A_300 : memref<112xi32, #tpu.memory_space<vmem>>) target_semaphore(%arg21 : memref<!tpu.dma_semaphore, #tpu.memory_space<semaphore_mem>>)
        %dma_start3A_302 = arith.constant 0 : i32
        %dma_start3A_303 = arith.constant 0 : i32
        %dma_start3A_304 = tpu.memref_slice %arg11[%dma_start3A_302, %dma_start3A_303] : memref<1x112xi32, #tpu.memory_space<vmem>> -> memref<1x112xi32, #tpu.memory_space<vmem>>
        %dma_start3A_305 = tpu.memref_squeeze %dma_start3A_304 : memref<1x112xi32, #tpu.memory_space<vmem>> -> memref<112xi32, #tpu.memory_space<vmem>>
        %dma_start3A_306 = tpu.memref_slice %arg3[%mul3A_290] : memref<645120xi32, #tpu.memory_space<hbm>> -> memref<112xi32, #tpu.memory_space<hbm>>
        %dma_start3A_307 = arith.constant 0 : i32
        %dma_start3A_308 = tpu.memref_slice %arg11[%dma_start3A_302, %dma_start3A_307] : memref<1x112xi32, #tpu.memory_space<vmem>> -> memref<1x112xi32, #tpu.memory_space<vmem>>
        %dma_start3A_309 = tpu.memref_squeeze %dma_start3A_308 : memref<1x112xi32, #tpu.memory_space<vmem>> -> memref<112xi32, #tpu.memory_space<vmem>>
        %dma_start3A_310 = tpu.memref_slice %arg3[%mul3A_290] : memref<645120xi32, #tpu.memory_space<hbm>> -> memref<112xi32, #tpu.memory_space<hbm>>
        tpu.enqueue_dma source(%dma_start3A_310 : memref<112xi32, #tpu.memory_space<hbm>>) target(%dma_start3A_309 : memref<112xi32, #tpu.memory_space<vmem>>) target_semaphore(%arg21 : memref<!tpu.dma_semaphore, #tpu.memory_space<semaphore_mem>>)
      } else {
      }
      %add3A_230 = arith.constant 2 : i32
      %add3A_231 = arith.addi %add3A_216, %add3A_230 : i32
      %lt3A_232 = arith.cmpi slt, %add3A_231, %select_n3A_8 : i32
      %convert_element_type3A_233 = arith.extui %lt3A_232 : i1 to i32
      %cond3A_234 = arith.constant 0 : i32
      %cond3A_235 = arith.cmpi ne, %convert_element_type3A_233, %cond3A_234 : i32
      scf.if %cond3A_235 {
        %add3A_286 = arith.constant 2 : i32
        %add3A_287 = arith.addi %add3A_216, %add3A_286 : i32
        %add3A_288 = arith.addi %select_n3A, %add3A_287 : i32
        %mul3A_289 = arith.constant 112 : i32
        %mul3A_290 = arith.muli %add3A_288, %mul3A_289 : i32
        %add3A_291 = arith.constant 322560 : i32
        %add3A_292 = arith.addi %add3A_291, %mul3A_290 : i32
        %dma_wait3A_293 = arith.constant 0 : i32
        %dma_wait3A_294 = arith.constant 0 : i32
        %dma_wait3A_295 = tpu.memref_slice %arg10[%dma_wait3A_293, %dma_wait3A_294] : memref<1x112xi32, #tpu.memory_space<vmem>> -> memref<1x112xi32, #tpu.memory_space<vmem>>
        %dma_wait3A_296 = tpu.memref_squeeze %dma_wait3A_295 : memref<1x112xi32, #tpu.memory_space<vmem>> -> memref<112xi32, #tpu.memory_space<vmem>>
        %dma_wait3A_297 = tpu.memref_slice %arg3[%add3A_292] : memref<645120xi32, #tpu.memory_space<hbm>> -> memref<112xi32, #tpu.memory_space<hbm>>
        %dma_wait3A_298 = arith.constant 0 : i32
        %dma_wait3A_299 = tpu.memref_slice %arg10[%dma_wait3A_293, %dma_wait3A_298] : memref<1x112xi32, #tpu.memory_space<vmem>> -> memref<1x112xi32, #tpu.memory_space<vmem>>
        %dma_wait3A_300 = tpu.memref_squeeze %dma_wait3A_299 : memref<1x112xi32, #tpu.memory_space<vmem>> -> memref<112xi32, #tpu.memory_space<vmem>>
        %dma_wait3A_301 = tpu.memref_slice %arg3[%add3A_292] : memref<645120xi32, #tpu.memory_space<hbm>> -> memref<112xi32, #tpu.memory_space<hbm>>
        tpu.wait_dma2 semaphore(%arg23 : memref<!tpu.dma_semaphore, #tpu.memory_space<semaphore_mem>>) src(%dma_wait3A_301 : memref<112xi32, #tpu.memory_space<hbm>>) dst(%dma_wait3A_300 : memref<112xi32, #tpu.memory_space<vmem>>)
        %dma_wait3A_302 = arith.constant 0 : i32
        %dma_wait3A_303 = arith.constant 0 : i32
        %dma_wait3A_304 = tpu.memref_slice %arg13[%dma_wait3A_302, %dma_wait3A_303] : memref<1x112xi32, #tpu.memory_space<vmem>> -> memref<1x112xi32, #tpu.memory_space<vmem>>
        %dma_wait3A_305 = tpu.memref_squeeze %dma_wait3A_304 : memref<1x112xi32, #tpu.memory_space<vmem>> -> memref<112xi32, #tpu.memory_space<vmem>>
        %dma_wait3A_306 = tpu.memref_slice %arg3[%mul3A_290] : memref<645120xi32, #tpu.memory_space<hbm>> -> memref<112xi32, #tpu.memory_space<hbm>>
        %dma_wait3A_307 = arith.constant 0 : i32
        %dma_wait3A_308 = tpu.memref_slice %arg13[%dma_wait3A_302, %dma_wait3A_307] : memref<1x112xi32, #tpu.memory_space<vmem>> -> memref<1x112xi32, #tpu.memory_space<vmem>>
        %dma_wait3A_309 = tpu.memref_squeeze %dma_wait3A_308 : memref<1x112xi32, #tpu.memory_space<vmem>> -> memref<112xi32, #tpu.memory_space<vmem>>
        %dma_wait3A_310 = tpu.memref_slice %arg3[%mul3A_290] : memref<645120xi32, #tpu.memory_space<hbm>> -> memref<112xi32, #tpu.memory_space<hbm>>
        tpu.wait_dma2 semaphore(%arg23 : memref<!tpu.dma_semaphore, #tpu.memory_space<semaphore_mem>>) src(%dma_wait3A_310 : memref<112xi32, #tpu.memory_space<hbm>>) dst(%dma_wait3A_309 : memref<112xi32, #tpu.memory_space<vmem>>)
        %dma_start3A_311 = arith.constant 0 : i32
        %dma_start3A_312 = arith.constant 0 : i32
        %dma_start3A_313 = tpu.memref_slice %arg10[%dma_start3A_311, %dma_start3A_312] : memref<1x112xi32, #tpu.memory_space<vmem>> -> memref<1x112xi32, #tpu.memory_space<vmem>>
        %dma_start3A_314 = tpu.memref_squeeze %dma_start3A_313 : memref<1x112xi32, #tpu.memory_space<vmem>> -> memref<112xi32, #tpu.memory_space<vmem>>
        %dma_start3A_315 = arith.constant 0 : i32
        %dma_start3A_316 = arith.constant 0 : i32
        %dma_start3A_317 = tpu.memref_slice %arg2[%dma_start3A_315, %dma_start3A_316] : memref<10000x128xf32, #tpu.memory_space<hbm>> -> memref<10000x128xf32, #tpu.memory_space<hbm>>
        tpu.enqueue_indirect_dma source(%dma_start3A_317 : memref<10000x128xf32, #tpu.memory_space<hbm>>) target(%arg16 : memref<112x128xf32, #tpu.memory_space<vmem>>) offsets(%dma_start3A_314 : memref<112xi32, #tpu.memory_space<vmem>>) semaphore(%arg26 : memref<!tpu.dma_semaphore, #tpu.memory_space<semaphore_mem>>)
      } else {
      }
      %mul3A_236 = arith.constant 3 : i32
      %mul3A_237 = arith.muli %add3A_212, %mul3A_236 : i32
      %add3A_238 = arith.constant 1 : i32
      %add3A_239 = arith.addi %mul3A_237, %add3A_238 : i32
      %dma_wait3A_240 = arith.constant 0 : i32
      %dma_wait3A_241 = arith.constant 0 : i32
      %dma_wait3A_242 = tpu.memref_slice %arg9[%dma_wait3A_240, %dma_wait3A_241] : memref<1x112xi32, #tpu.memory_space<vmem>> -> memref<1x112xi32, #tpu.memory_space<vmem>>
      %dma_wait3A_243 = tpu.memref_squeeze %dma_wait3A_242 : memref<1x112xi32, #tpu.memory_space<vmem>> -> memref<112xi32, #tpu.memory_space<vmem>>
      %dma_wait3A_244 = arith.constant 0 : i32
      %dma_wait3A_245 = arith.constant 0 : i32
      %dma_wait3A_246 = tpu.memref_slice %arg2[%dma_wait3A_244, %dma_wait3A_245] : memref<10000x128xf32, #tpu.memory_space<hbm>> -> memref<10000x128xf32, #tpu.memory_space<hbm>>
      tpu.wait_indirect_dma semaphore(%arg25 : memref<!tpu.dma_semaphore, #tpu.memory_space<semaphore_mem>>) src(%dma_wait3A_246 : memref<10000x128xf32, #tpu.memory_space<hbm>>) dst(%arg15 : memref<112x128xf32, #tpu.memory_space<vmem>>)
      %run_scoped3A_247 = arith.constant 0 : i32
      "tpu.region"() ({
        %run_scoped3A_286 = tpu.sem_alloc : memref<!tpu.dma_semaphore, #tpu.memory_space<semaphore_mem>>
        %dma_start3A_287 = arith.constant 0 : i32
        %dma_start3A_288 = tpu.memref_slice %arg12[%run_scoped3A_247, %dma_start3A_287] : memref<1x112xi32, #tpu.memory_space<vmem>> -> memref<1x112xi32, #tpu.memory_space<vmem>>
        %dma_start3A_289 = tpu.memref_squeeze %dma_start3A_288 : memref<1x112xi32, #tpu.memory_space<vmem>> -> memref<112xi32, #tpu.memory_space<vmem>>
        %dma_start3A_290 = arith.constant 0 : i32
        %dma_start3A_291 = arith.constant 0 : i32
        %dma_start3A_292 = tpu.memref_slice %arg19[%dma_start3A_290, %dma_start3A_291] : memref<10240x128xf32, #tpu.memory_space<vmem_shared>> -> memref<10240x128xf32, #tpu.memory_space<vmem_shared>>
        tpu.enqueue_indirect_dma source(%arg15 : memref<112x128xf32, #tpu.memory_space<vmem>>) target(%dma_start3A_292 : memref<10240x128xf32, #tpu.memory_space<vmem_shared>>) offsets(%dma_start3A_289 : memref<112xi32, #tpu.memory_space<vmem>>) semaphore(%run_scoped3A_286 : memref<!tpu.dma_semaphore, #tpu.memory_space<semaphore_mem>>) {add = true}
        %dma_wait3A_293 = arith.constant 0 : i32
        %dma_wait3A_294 = tpu.memref_slice %arg12[%run_scoped3A_247, %dma_wait3A_293] : memref<1x112xi32, #tpu.memory_space<vmem>> -> memref<1x112xi32, #tpu.memory_space<vmem>>
        %dma_wait3A_295 = tpu.memref_squeeze %dma_wait3A_294 : memref<1x112xi32, #tpu.memory_space<vmem>> -> memref<112xi32, #tpu.memory_space<vmem>>
        %dma_wait3A_296 = arith.constant 0 : i32
        %dma_wait3A_297 = arith.constant 0 : i32
        %dma_wait3A_298 = tpu.memref_slice %arg19[%dma_wait3A_296, %dma_wait3A_297] : memref<10240x128xf32, #tpu.memory_space<vmem_shared>> -> memref<10240x128xf32, #tpu.memory_space<vmem_shared>>
        tpu.wait_indirect_dma semaphore(%run_scoped3A_286 : memref<!tpu.dma_semaphore, #tpu.memory_space<semaphore_mem>>) src(%arg15 : memref<112x128xf32, #tpu.memory_space<vmem>>) dst(%dma_wait3A_298 : memref<10240x128xf32, #tpu.memory_space<vmem_shared>>)
        tpu.yield
      }) : () -> ()
      %run_scoped3A_248 = arith.constant 0 : i32
      "tpu.region"() ({
        %run_scoped3A_286 = tpu.sem_alloc : memref<!tpu.dma_semaphore, #tpu.memory_space<semaphore_mem>>
        %dma_start3A_287 = arith.constant 0 : i32
        %dma_start3A_288 = tpu.memref_slice %arg12[%run_scoped3A_248, %dma_start3A_287] : memref<1x112xi32, #tpu.memory_space<vmem>> -> memref<1x112xi32, #tpu.memory_space<vmem>>
        %dma_start3A_289 = tpu.memref_squeeze %dma_start3A_288 : memref<1x112xi32, #tpu.memory_space<vmem>> -> memref<112xi32, #tpu.memory_space<vmem>>
        %dma_start3A_290 = arith.constant 0 : i32
        %dma_start3A_291 = tpu.memref_slice %arg20[%dma_start3A_290] : memref<10240xf32, #tpu.memory_space<vmem_shared>> -> memref<10240xf32, #tpu.memory_space<vmem_shared>>
        tpu.enqueue_indirect_dma source(%arg17 : memref<112xf32, #tpu.memory_space<vmem>>) target(%dma_start3A_291 : memref<10240xf32, #tpu.memory_space<vmem_shared>>) offsets(%dma_start3A_289 : memref<112xi32, #tpu.memory_space<vmem>>) semaphore(%run_scoped3A_286 : memref<!tpu.dma_semaphore, #tpu.memory_space<semaphore_mem>>) {add = true}
        %dma_wait3A_292 = arith.constant 0 : i32
        %dma_wait3A_293 = tpu.memref_slice %arg12[%run_scoped3A_248, %dma_wait3A_292] : memref<1x112xi32, #tpu.memory_space<vmem>> -> memref<1x112xi32, #tpu.memory_space<vmem>>
        %dma_wait3A_294 = tpu.memref_squeeze %dma_wait3A_293 : memref<1x112xi32, #tpu.memory_space<vmem>> -> memref<112xi32, #tpu.memory_space<vmem>>
        %dma_wait3A_295 = arith.constant 0 : i32
        %dma_wait3A_296 = tpu.memref_slice %arg20[%dma_wait3A_295] : memref<10240xf32, #tpu.memory_space<vmem_shared>> -> memref<10240xf32, #tpu.memory_space<vmem_shared>>
        tpu.wait_indirect_dma semaphore(%run_scoped3A_286 : memref<!tpu.dma_semaphore, #tpu.memory_space<semaphore_mem>>) src(%arg17 : memref<112xf32, #tpu.memory_space<vmem>>) dst(%dma_wait3A_296 : memref<10240xf32, #tpu.memory_space<vmem_shared>>)
        tpu.yield
      }) : () -> ()
      %add3A_249 = arith.constant 3 : i32
      %add3A_250 = arith.addi %add3A_239, %add3A_249 : i32
      %lt3A_251 = arith.cmpi slt, %add3A_250, %select_n3A_8 : i32
      %convert_element_type3A_252 = arith.extui %lt3A_251 : i1 to i32
      %cond3A_253 = arith.constant 0 : i32
      %cond3A_254 = arith.cmpi ne, %convert_element_type3A_252, %cond3A_253 : i32
      scf.if %cond3A_254 {
        %add3A_286 = arith.constant 3 : i32
        %add3A_287 = arith.addi %add3A_239, %add3A_286 : i32
        %add3A_288 = arith.addi %select_n3A, %add3A_287 : i32
        %mul3A_289 = arith.constant 112 : i32
        %mul3A_290 = arith.muli %add3A_288, %mul3A_289 : i32
        %add3A_291 = arith.constant 322560 : i32
        %add3A_292 = arith.addi %add3A_291, %mul3A_290 : i32
        %dma_start3A_293 = arith.constant 0 : i32
        %dma_start3A_294 = arith.constant 0 : i32
        %dma_start3A_295 = tpu.memref_slice %arg9[%dma_start3A_293, %dma_start3A_294] : memref<1x112xi32, #tpu.memory_space<vmem>> -> memref<1x112xi32, #tpu.memory_space<vmem>>
        %dma_start3A_296 = tpu.memref_squeeze %dma_start3A_295 : memref<1x112xi32, #tpu.memory_space<vmem>> -> memref<112xi32, #tpu.memory_space<vmem>>
        %dma_start3A_297 = tpu.memref_slice %arg3[%add3A_292] : memref<645120xi32, #tpu.memory_space<hbm>> -> memref<112xi32, #tpu.memory_space<hbm>>
        %dma_start3A_298 = arith.constant 0 : i32
        %dma_start3A_299 = tpu.memref_slice %arg9[%dma_start3A_293, %dma_start3A_298] : memref<1x112xi32, #tpu.memory_space<vmem>> -> memref<1x112xi32, #tpu.memory_space<vmem>>
        %dma_start3A_300 = tpu.memref_squeeze %dma_start3A_299 : memref<1x112xi32, #tpu.memory_space<vmem>> -> memref<112xi32, #tpu.memory_space<vmem>>
        %dma_start3A_301 = tpu.memref_slice %arg3[%add3A_292] : memref<645120xi32, #tpu.memory_space<hbm>> -> memref<112xi32, #tpu.memory_space<hbm>>
        tpu.enqueue_dma source(%dma_start3A_301 : memref<112xi32, #tpu.memory_space<hbm>>) target(%dma_start3A_300 : memref<112xi32, #tpu.memory_space<vmem>>) target_semaphore(%arg22 : memref<!tpu.dma_semaphore, #tpu.memory_space<semaphore_mem>>)
        %dma_start3A_302 = arith.constant 0 : i32
        %dma_start3A_303 = arith.constant 0 : i32
        %dma_start3A_304 = tpu.memref_slice %arg12[%dma_start3A_302, %dma_start3A_303] : memref<1x112xi32, #tpu.memory_space<vmem>> -> memref<1x112xi32, #tpu.memory_space<vmem>>
        %dma_start3A_305 = tpu.memref_squeeze %dma_start3A_304 : memref<1x112xi32, #tpu.memory_space<vmem>> -> memref<112xi32, #tpu.memory_space<vmem>>
        %dma_start3A_306 = tpu.memref_slice %arg3[%mul3A_290] : memref<645120xi32, #tpu.memory_space<hbm>> -> memref<112xi32, #tpu.memory_space<hbm>>
        %dma_start3A_307 = arith.constant 0 : i32
        %dma_start3A_308 = tpu.memref_slice %arg12[%dma_start3A_302, %dma_start3A_307] : memref<1x112xi32, #tpu.memory_space<vmem>> -> memref<1x112xi32, #tpu.memory_space<vmem>>
        %dma_start3A_309 = tpu.memref_squeeze %dma_start3A_308 : memref<1x112xi32, #tpu.memory_space<vmem>> -> memref<112xi32, #tpu.memory_space<vmem>>
        %dma_start3A_310 = tpu.memref_slice %arg3[%mul3A_290] : memref<645120xi32, #tpu.memory_space<hbm>> -> memref<112xi32, #tpu.memory_space<hbm>>
        tpu.enqueue_dma source(%dma_start3A_310 : memref<112xi32, #tpu.memory_space<hbm>>) target(%dma_start3A_309 : memref<112xi32, #tpu.memory_space<vmem>>) target_semaphore(%arg22 : memref<!tpu.dma_semaphore, #tpu.memory_space<semaphore_mem>>)
      } else {
      }
      %add3A_255 = arith.constant 2 : i32
      %add3A_256 = arith.addi %add3A_239, %add3A_255 : i32
      %lt3A_257 = arith.cmpi slt, %add3A_256, %select_n3A_8 : i32
      %convert_element_type3A_258 = arith.extui %lt3A_257 : i1 to i32
      %cond3A_259 = arith.constant 0 : i32
      %cond3A_260 = arith.cmpi ne, %convert_element_type3A_258, %cond3A_259 : i32
      scf.if %cond3A_260 {
        %add3A_286 = arith.constant 2 : i32
        %add3A_287 = arith.addi %add3A_239, %add3A_286 : i32
        %add3A_288 = arith.addi %select_n3A, %add3A_287 : i32
        %mul3A_289 = arith.constant 112 : i32
        %mul3A_290 = arith.muli %add3A_288, %mul3A_289 : i32
        %add3A_291 = arith.constant 322560 : i32
        %add3A_292 = arith.addi %add3A_291, %mul3A_290 : i32
        %dma_wait3A_293 = arith.constant 0 : i32
        %dma_wait3A_294 = arith.constant 0 : i32
        %dma_wait3A_295 = tpu.memref_slice %arg8[%dma_wait3A_293, %dma_wait3A_294] : memref<1x112xi32, #tpu.memory_space<vmem>> -> memref<1x112xi32, #tpu.memory_space<vmem>>
        %dma_wait3A_296 = tpu.memref_squeeze %dma_wait3A_295 : memref<1x112xi32, #tpu.memory_space<vmem>> -> memref<112xi32, #tpu.memory_space<vmem>>
        %dma_wait3A_297 = tpu.memref_slice %arg3[%add3A_292] : memref<645120xi32, #tpu.memory_space<hbm>> -> memref<112xi32, #tpu.memory_space<hbm>>
        %dma_wait3A_298 = arith.constant 0 : i32
        %dma_wait3A_299 = tpu.memref_slice %arg8[%dma_wait3A_293, %dma_wait3A_298] : memref<1x112xi32, #tpu.memory_space<vmem>> -> memref<1x112xi32, #tpu.memory_space<vmem>>
        %dma_wait3A_300 = tpu.memref_squeeze %dma_wait3A_299 : memref<1x112xi32, #tpu.memory_space<vmem>> -> memref<112xi32, #tpu.memory_space<vmem>>
        %dma_wait3A_301 = tpu.memref_slice %arg3[%add3A_292] : memref<645120xi32, #tpu.memory_space<hbm>> -> memref<112xi32, #tpu.memory_space<hbm>>
        tpu.wait_dma2 semaphore(%arg21 : memref<!tpu.dma_semaphore, #tpu.memory_space<semaphore_mem>>) src(%dma_wait3A_301 : memref<112xi32, #tpu.memory_space<hbm>>) dst(%dma_wait3A_300 : memref<112xi32, #tpu.memory_space<vmem>>)
        %dma_wait3A_302 = arith.constant 0 : i32
        %dma_wait3A_303 = arith.constant 0 : i32
        %dma_wait3A_304 = tpu.memref_slice %arg11[%dma_wait3A_302, %dma_wait3A_303] : memref<1x112xi32, #tpu.memory_space<vmem>> -> memref<1x112xi32, #tpu.memory_space<vmem>>
        %dma_wait3A_305 = tpu.memref_squeeze %dma_wait3A_304 : memref<1x112xi32, #tpu.memory_space<vmem>> -> memref<112xi32, #tpu.memory_space<vmem>>
        %dma_wait3A_306 = tpu.memref_slice %arg3[%mul3A_290] : memref<645120xi32, #tpu.memory_space<hbm>> -> memref<112xi32, #tpu.memory_space<hbm>>
        %dma_wait3A_307 = arith.constant 0 : i32
        %dma_wait3A_308 = tpu.memref_slice %arg11[%dma_wait3A_302, %dma_wait3A_307] : memref<1x112xi32, #tpu.memory_space<vmem>> -> memref<1x112xi32, #tpu.memory_space<vmem>>
        %dma_wait3A_309 = tpu.memref_squeeze %dma_wait3A_308 : memref<1x112xi32, #tpu.memory_space<vmem>> -> memref<112xi32, #tpu.memory_space<vmem>>
        %dma_wait3A_310 = tpu.memref_slice %arg3[%mul3A_290] : memref<645120xi32, #tpu.memory_space<hbm>> -> memref<112xi32, #tpu.memory_space<hbm>>
        tpu.wait_dma2 semaphore(%arg21 : memref<!tpu.dma_semaphore, #tpu.memory_space<semaphore_mem>>) src(%dma_wait3A_310 : memref<112xi32, #tpu.memory_space<hbm>>) dst(%dma_wait3A_309 : memref<112xi32, #tpu.memory_space<vmem>>)
        %dma_start3A_311 = arith.constant 0 : i32
        %dma_start3A_312 = arith.constant 0 : i32
        %dma_start3A_313 = tpu.memref_slice %arg8[%dma_start3A_311, %dma_start3A_312] : memref<1x112xi32, #tpu.memory_space<vmem>> -> memref<1x112xi32, #tpu.memory_space<vmem>>
        %dma_start3A_314 = tpu.memref_squeeze %dma_start3A_313 : memref<1x112xi32, #tpu.memory_space<vmem>> -> memref<112xi32, #tpu.memory_space<vmem>>
        %dma_start3A_315 = arith.constant 0 : i32
        %dma_start3A_316 = arith.constant 0 : i32
        %dma_start3A_317 = tpu.memref_slice %arg2[%dma_start3A_315, %dma_start3A_316] : memref<10000x128xf32, #tpu.memory_space<hbm>> -> memref<10000x128xf32, #tpu.memory_space<hbm>>
        tpu.enqueue_indirect_dma source(%dma_start3A_317 : memref<10000x128xf32, #tpu.memory_space<hbm>>) target(%arg14 : memref<112x128xf32, #tpu.memory_space<vmem>>) offsets(%dma_start3A_314 : memref<112xi32, #tpu.memory_space<vmem>>) semaphore(%arg24 : memref<!tpu.dma_semaphore, #tpu.memory_space<semaphore_mem>>)
      } else {
      }
      %mul3A_261 = arith.constant 3 : i32
      %mul3A_262 = arith.muli %add3A_212, %mul3A_261 : i32
      %add3A_263 = arith.constant 2 : i32
      %add3A_264 = arith.addi %mul3A_262, %add3A_263 : i32
      %dma_wait3A_265 = arith.constant 0 : i32
      %dma_wait3A_266 = arith.constant 0 : i32
      %dma_wait3A_267 = tpu.memref_slice %arg10[%dma_wait3A_265, %dma_wait3A_266] : memref<1x112xi32, #tpu.memory_space<vmem>> -> memref<1x112xi32, #tpu.memory_space<vmem>>
      %dma_wait3A_268 = tpu.memref_squeeze %dma_wait3A_267 : memref<1x112xi32, #tpu.memory_space<vmem>> -> memref<112xi32, #tpu.memory_space<vmem>>
      %dma_wait3A_269 = arith.constant 0 : i32
      %dma_wait3A_270 = arith.constant 0 : i32
      %dma_wait3A_271 = tpu.memref_slice %arg2[%dma_wait3A_269, %dma_wait3A_270] : memref<10000x128xf32, #tpu.memory_space<hbm>> -> memref<10000x128xf32, #tpu.memory_space<hbm>>
      tpu.wait_indirect_dma semaphore(%arg26 : memref<!tpu.dma_semaphore, #tpu.memory_space<semaphore_mem>>) src(%dma_wait3A_271 : memref<10000x128xf32, #tpu.memory_space<hbm>>) dst(%arg16 : memref<112x128xf32, #tpu.memory_space<vmem>>)
      %run_scoped3A_272 = arith.constant 0 : i32
      "tpu.region"() ({
        %run_scoped3A_286 = tpu.sem_alloc : memref<!tpu.dma_semaphore, #tpu.memory_space<semaphore_mem>>
        %dma_start3A_287 = arith.constant 0 : i32
        %dma_start3A_288 = tpu.memref_slice %arg13[%run_scoped3A_272, %dma_start3A_287] : memref<1x112xi32, #tpu.memory_space<vmem>> -> memref<1x112xi32, #tpu.memory_space<vmem>>
        %dma_start3A_289 = tpu.memref_squeeze %dma_start3A_288 : memref<1x112xi32, #tpu.memory_space<vmem>> -> memref<112xi32, #tpu.memory_space<vmem>>
        %dma_start3A_290 = arith.constant 0 : i32
        %dma_start3A_291 = arith.constant 0 : i32
        %dma_start3A_292 = tpu.memref_slice %arg19[%dma_start3A_290, %dma_start3A_291] : memref<10240x128xf32, #tpu.memory_space<vmem_shared>> -> memref<10240x128xf32, #tpu.memory_space<vmem_shared>>
        tpu.enqueue_indirect_dma source(%arg16 : memref<112x128xf32, #tpu.memory_space<vmem>>) target(%dma_start3A_292 : memref<10240x128xf32, #tpu.memory_space<vmem_shared>>) offsets(%dma_start3A_289 : memref<112xi32, #tpu.memory_space<vmem>>) semaphore(%run_scoped3A_286 : memref<!tpu.dma_semaphore, #tpu.memory_space<semaphore_mem>>) {add = true}
        %dma_wait3A_293 = arith.constant 0 : i32
        %dma_wait3A_294 = tpu.memref_slice %arg13[%run_scoped3A_272, %dma_wait3A_293] : memref<1x112xi32, #tpu.memory_space<vmem>> -> memref<1x112xi32, #tpu.memory_space<vmem>>
        %dma_wait3A_295 = tpu.memref_squeeze %dma_wait3A_294 : memref<1x112xi32, #tpu.memory_space<vmem>> -> memref<112xi32, #tpu.memory_space<vmem>>
        %dma_wait3A_296 = arith.constant 0 : i32
        %dma_wait3A_297 = arith.constant 0 : i32
        %dma_wait3A_298 = tpu.memref_slice %arg19[%dma_wait3A_296, %dma_wait3A_297] : memref<10240x128xf32, #tpu.memory_space<vmem_shared>> -> memref<10240x128xf32, #tpu.memory_space<vmem_shared>>
        tpu.wait_indirect_dma semaphore(%run_scoped3A_286 : memref<!tpu.dma_semaphore, #tpu.memory_space<semaphore_mem>>) src(%arg16 : memref<112x128xf32, #tpu.memory_space<vmem>>) dst(%dma_wait3A_298 : memref<10240x128xf32, #tpu.memory_space<vmem_shared>>)
        tpu.yield
      }) : () -> ()
      %run_scoped3A_273 = arith.constant 0 : i32
      "tpu.region"() ({
        %run_scoped3A_286 = tpu.sem_alloc : memref<!tpu.dma_semaphore, #tpu.memory_space<semaphore_mem>>
        %dma_start3A_287 = arith.constant 0 : i32
        %dma_start3A_288 = tpu.memref_slice %arg13[%run_scoped3A_273, %dma_start3A_287] : memref<1x112xi32, #tpu.memory_space<vmem>> -> memref<1x112xi32, #tpu.memory_space<vmem>>
        %dma_start3A_289 = tpu.memref_squeeze %dma_start3A_288 : memref<1x112xi32, #tpu.memory_space<vmem>> -> memref<112xi32, #tpu.memory_space<vmem>>
        %dma_start3A_290 = arith.constant 0 : i32
        %dma_start3A_291 = tpu.memref_slice %arg20[%dma_start3A_290] : memref<10240xf32, #tpu.memory_space<vmem_shared>> -> memref<10240xf32, #tpu.memory_space<vmem_shared>>
        tpu.enqueue_indirect_dma source(%arg17 : memref<112xf32, #tpu.memory_space<vmem>>) target(%dma_start3A_291 : memref<10240xf32, #tpu.memory_space<vmem_shared>>) offsets(%dma_start3A_289 : memref<112xi32, #tpu.memory_space<vmem>>) semaphore(%run_scoped3A_286 : memref<!tpu.dma_semaphore, #tpu.memory_space<semaphore_mem>>) {add = true}
        %dma_wait3A_292 = arith.constant 0 : i32
        %dma_wait3A_293 = tpu.memref_slice %arg13[%run_scoped3A_273, %dma_wait3A_292] : memref<1x112xi32, #tpu.memory_space<vmem>> -> memref<1x112xi32, #tpu.memory_space<vmem>>
        %dma_wait3A_294 = tpu.memref_squeeze %dma_wait3A_293 : memref<1x112xi32, #tpu.memory_space<vmem>> -> memref<112xi32, #tpu.memory_space<vmem>>
        %dma_wait3A_295 = arith.constant 0 : i32
        %dma_wait3A_296 = tpu.memref_slice %arg20[%dma_wait3A_295] : memref<10240xf32, #tpu.memory_space<vmem_shared>> -> memref<10240xf32, #tpu.memory_space<vmem_shared>>
        tpu.wait_indirect_dma semaphore(%run_scoped3A_286 : memref<!tpu.dma_semaphore, #tpu.memory_space<semaphore_mem>>) src(%arg17 : memref<112xf32, #tpu.memory_space<vmem>>) dst(%dma_wait3A_296 : memref<10240xf32, #tpu.memory_space<vmem_shared>>)
        tpu.yield
      }) : () -> ()
      %add3A_274 = arith.constant 3 : i32
      %add3A_275 = arith.addi %add3A_264, %add3A_274 : i32
      %lt3A_276 = arith.cmpi slt, %add3A_275, %select_n3A_8 : i32
      %convert_element_type3A_277 = arith.extui %lt3A_276 : i1 to i32
      %cond3A_278 = arith.constant 0 : i32
      %cond3A_279 = arith.cmpi ne, %convert_element_type3A_277, %cond3A_278 : i32
      scf.if %cond3A_279 {
        %add3A_286 = arith.constant 3 : i32
        %add3A_287 = arith.addi %add3A_264, %add3A_286 : i32
        %add3A_288 = arith.addi %select_n3A, %add3A_287 : i32
        %mul3A_289 = arith.constant 112 : i32
        %mul3A_290 = arith.muli %add3A_288, %mul3A_289 : i32
        %add3A_291 = arith.constant 322560 : i32
        %add3A_292 = arith.addi %add3A_291, %mul3A_290 : i32
        %dma_start3A_293 = arith.constant 0 : i32
        %dma_start3A_294 = arith.constant 0 : i32
        %dma_start3A_295 = tpu.memref_slice %arg10[%dma_start3A_293, %dma_start3A_294] : memref<1x112xi32, #tpu.memory_space<vmem>> -> memref<1x112xi32, #tpu.memory_space<vmem>>
        %dma_start3A_296 = tpu.memref_squeeze %dma_start3A_295 : memref<1x112xi32, #tpu.memory_space<vmem>> -> memref<112xi32, #tpu.memory_space<vmem>>
        %dma_start3A_297 = tpu.memref_slice %arg3[%add3A_292] : memref<645120xi32, #tpu.memory_space<hbm>> -> memref<112xi32, #tpu.memory_space<hbm>>
        %dma_start3A_298 = arith.constant 0 : i32
        %dma_start3A_299 = tpu.memref_slice %arg10[%dma_start3A_293, %dma_start3A_298] : memref<1x112xi32, #tpu.memory_space<vmem>> -> memref<1x112xi32, #tpu.memory_space<vmem>>
        %dma_start3A_300 = tpu.memref_squeeze %dma_start3A_299 : memref<1x112xi32, #tpu.memory_space<vmem>> -> memref<112xi32, #tpu.memory_space<vmem>>
        %dma_start3A_301 = tpu.memref_slice %arg3[%add3A_292] : memref<645120xi32, #tpu.memory_space<hbm>> -> memref<112xi32, #tpu.memory_space<hbm>>
        tpu.enqueue_dma source(%dma_start3A_301 : memref<112xi32, #tpu.memory_space<hbm>>) target(%dma_start3A_300 : memref<112xi32, #tpu.memory_space<vmem>>) target_semaphore(%arg23 : memref<!tpu.dma_semaphore, #tpu.memory_space<semaphore_mem>>)
        %dma_start3A_302 = arith.constant 0 : i32
        %dma_start3A_303 = arith.constant 0 : i32
        %dma_start3A_304 = tpu.memref_slice %arg13[%dma_start3A_302, %dma_start3A_303] : memref<1x112xi32, #tpu.memory_space<vmem>> -> memref<1x112xi32, #tpu.memory_space<vmem>>
        %dma_start3A_305 = tpu.memref_squeeze %dma_start3A_304 : memref<1x112xi32, #tpu.memory_space<vmem>> -> memref<112xi32, #tpu.memory_space<vmem>>
        %dma_start3A_306 = tpu.memref_slice %arg3[%mul3A_290] : memref<645120xi32, #tpu.memory_space<hbm>> -> memref<112xi32, #tpu.memory_space<hbm>>
        %dma_start3A_307 = arith.constant 0 : i32
        %dma_start3A_308 = tpu.memref_slice %arg13[%dma_start3A_302, %dma_start3A_307] : memref<1x112xi32, #tpu.memory_space<vmem>> -> memref<1x112xi32, #tpu.memory_space<vmem>>
        %dma_start3A_309 = tpu.memref_squeeze %dma_start3A_308 : memref<1x112xi32, #tpu.memory_space<vmem>> -> memref<112xi32, #tpu.memory_space<vmem>>
        %dma_start3A_310 = tpu.memref_slice %arg3[%mul3A_290] : memref<645120xi32, #tpu.memory_space<hbm>> -> memref<112xi32, #tpu.memory_space<hbm>>
        tpu.enqueue_dma source(%dma_start3A_310 : memref<112xi32, #tpu.memory_space<hbm>>) target(%dma_start3A_309 : memref<112xi32, #tpu.memory_space<vmem>>) target_semaphore(%arg23 : memref<!tpu.dma_semaphore, #tpu.memory_space<semaphore_mem>>)
      } else {
      }
      %add3A_280 = arith.constant 2 : i32
      %add3A_281 = arith.addi %add3A_264, %add3A_280 : i32
      %lt3A_282 = arith.cmpi slt, %add3A_281, %select_n3A_8 : i32
      %convert_element_type3A_283 = arith.extui %lt3A_282 : i1 to i32
      %cond3A_284 = arith.constant 0 : i32
      %cond3A_285 = arith.cmpi ne, %convert_element_type3A_283, %cond3A_284 : i32
      scf.if %cond3A_285 {
        %add3A_286 = arith.constant 2 : i32
        %add3A_287 = arith.addi %add3A_264, %add3A_286 : i32
        %add3A_288 = arith.addi %select_n3A, %add3A_287 : i32
        %mul3A_289 = arith.constant 112 : i32
        %mul3A_290 = arith.muli %add3A_288, %mul3A_289 : i32
        %add3A_291 = arith.constant 322560 : i32
        %add3A_292 = arith.addi %add3A_291, %mul3A_290 : i32
        %dma_wait3A_293 = arith.constant 0 : i32
        %dma_wait3A_294 = arith.constant 0 : i32
        %dma_wait3A_295 = tpu.memref_slice %arg9[%dma_wait3A_293, %dma_wait3A_294] : memref<1x112xi32, #tpu.memory_space<vmem>> -> memref<1x112xi32, #tpu.memory_space<vmem>>
        %dma_wait3A_296 = tpu.memref_squeeze %dma_wait3A_295 : memref<1x112xi32, #tpu.memory_space<vmem>> -> memref<112xi32, #tpu.memory_space<vmem>>
        %dma_wait3A_297 = tpu.memref_slice %arg3[%add3A_292] : memref<645120xi32, #tpu.memory_space<hbm>> -> memref<112xi32, #tpu.memory_space<hbm>>
        %dma_wait3A_298 = arith.constant 0 : i32
        %dma_wait3A_299 = tpu.memref_slice %arg9[%dma_wait3A_293, %dma_wait3A_298] : memref<1x112xi32, #tpu.memory_space<vmem>> -> memref<1x112xi32, #tpu.memory_space<vmem>>
        %dma_wait3A_300 = tpu.memref_squeeze %dma_wait3A_299 : memref<1x112xi32, #tpu.memory_space<vmem>> -> memref<112xi32, #tpu.memory_space<vmem>>
        %dma_wait3A_301 = tpu.memref_slice %arg3[%add3A_292] : memref<645120xi32, #tpu.memory_space<hbm>> -> memref<112xi32, #tpu.memory_space<hbm>>
        tpu.wait_dma2 semaphore(%arg22 : memref<!tpu.dma_semaphore, #tpu.memory_space<semaphore_mem>>) src(%dma_wait3A_301 : memref<112xi32, #tpu.memory_space<hbm>>) dst(%dma_wait3A_300 : memref<112xi32, #tpu.memory_space<vmem>>)
        %dma_wait3A_302 = arith.constant 0 : i32
        %dma_wait3A_303 = arith.constant 0 : i32
        %dma_wait3A_304 = tpu.memref_slice %arg12[%dma_wait3A_302, %dma_wait3A_303] : memref<1x112xi32, #tpu.memory_space<vmem>> -> memref<1x112xi32, #tpu.memory_space<vmem>>
        %dma_wait3A_305 = tpu.memref_squeeze %dma_wait3A_304 : memref<1x112xi32, #tpu.memory_space<vmem>> -> memref<112xi32, #tpu.memory_space<vmem>>
        %dma_wait3A_306 = tpu.memref_slice %arg3[%mul3A_290] : memref<645120xi32, #tpu.memory_space<hbm>> -> memref<112xi32, #tpu.memory_space<hbm>>
        %dma_wait3A_307 = arith.constant 0 : i32
        %dma_wait3A_308 = tpu.memref_slice %arg12[%dma_wait3A_302, %dma_wait3A_307] : memref<1x112xi32, #tpu.memory_space<vmem>> -> memref<1x112xi32, #tpu.memory_space<vmem>>
        %dma_wait3A_309 = tpu.memref_squeeze %dma_wait3A_308 : memref<1x112xi32, #tpu.memory_space<vmem>> -> memref<112xi32, #tpu.memory_space<vmem>>
        %dma_wait3A_310 = tpu.memref_slice %arg3[%mul3A_290] : memref<645120xi32, #tpu.memory_space<hbm>> -> memref<112xi32, #tpu.memory_space<hbm>>
        tpu.wait_dma2 semaphore(%arg22 : memref<!tpu.dma_semaphore, #tpu.memory_space<semaphore_mem>>) src(%dma_wait3A_310 : memref<112xi32, #tpu.memory_space<hbm>>) dst(%dma_wait3A_309 : memref<112xi32, #tpu.memory_space<vmem>>)
        %dma_start3A_311 = arith.constant 0 : i32
        %dma_start3A_312 = arith.constant 0 : i32
        %dma_start3A_313 = tpu.memref_slice %arg9[%dma_start3A_311, %dma_start3A_312] : memref<1x112xi32, #tpu.memory_space<vmem>> -> memref<1x112xi32, #tpu.memory_space<vmem>>
        %dma_start3A_314 = tpu.memref_squeeze %dma_start3A_313 : memref<1x112xi32, #tpu.memory_space<vmem>> -> memref<112xi32, #tpu.memory_space<vmem>>
        %dma_start3A_315 = arith.constant 0 : i32
        %dma_start3A_316 = arith.constant 0 : i32
        %dma_start3A_317 = tpu.memref_slice %arg2[%dma_start3A_315, %dma_start3A_316] : memref<10000x128xf32, #tpu.memory_space<hbm>> -> memref<10000x128xf32, #tpu.memory_space<hbm>>
        tpu.enqueue_indirect_dma source(%dma_start3A_317 : memref<10000x128xf32, #tpu.memory_space<hbm>>) target(%arg15 : memref<112x128xf32, #tpu.memory_space<vmem>>) offsets(%dma_start3A_314 : memref<112xi32, #tpu.memory_space<vmem>>) semaphore(%arg25 : memref<!tpu.dma_semaphore, #tpu.memory_space<semaphore_mem>>)
      } else {
      }
    }
    %barrier3A_201 = arith.constant 0 : index
    tpu.barrier barrier_id(%barrier3A_201)
    %eq3A_202 = arith.constant 0 : i32
    %eq3A_203 = arith.cmpi eq, %arg0, %eq3A_202 : i32
    %convert_element_type3A = arith.extui %eq3A_203 : i1 to i32
    %cond3A = arith.constant 0 : i32
    %cond3A_204 = arith.cmpi ne, %convert_element_type3A, %cond3A : i32
    scf.if %cond3A_204 {
      %mul3A_210 = arith.constant 640 : i32
      %mul3A_211 = arith.muli %arg1, %mul3A_210 : i32
      %mul3A_212 = arith.constant 640 : i32
      %mul3A_213 = arith.muli %arg1, %mul3A_212 : i32
      "tpu.region"() ({
        %run_scoped3A = tpu.sem_alloc : memref<!tpu.dma_semaphore, #tpu.memory_space<semaphore_mem>>
        %dma_start3A_218 = arith.constant 0 : i32
        %dma_start3A_219 = tpu.memref_slice %arg4[%mul3A_213, %dma_start3A_218] : memref<10240x128xf32, #tpu.memory_space<hbm>> -> memref<640x128xf32, #tpu.memory_space<hbm>>
        %dma_start3A_220 = arith.constant 0 : i32
        %dma_start3A_221 = tpu.memref_slice %arg19[%mul3A_211, %dma_start3A_220] : memref<10240x128xf32, #tpu.memory_space<vmem_shared>> -> memref<640x128xf32, #tpu.memory_space<vmem_shared>>
        tpu.enqueue_dma source(%dma_start3A_221 : memref<640x128xf32, #tpu.memory_space<vmem_shared>>) target(%dma_start3A_219 : memref<640x128xf32, #tpu.memory_space<hbm>>) target_semaphore(%run_scoped3A : memref<!tpu.dma_semaphore, #tpu.memory_space<semaphore_mem>>)
        %dma_wait3A_222 = arith.constant 0 : i32
        %dma_wait3A_223 = tpu.memref_slice %arg4[%mul3A_213, %dma_wait3A_222] : memref<10240x128xf32, #tpu.memory_space<hbm>> -> memref<640x128xf32, #tpu.memory_space<hbm>>
        %dma_wait3A_224 = arith.constant 0 : i32
        %dma_wait3A_225 = tpu.memref_slice %arg19[%mul3A_211, %dma_wait3A_224] : memref<10240x128xf32, #tpu.memory_space<vmem_shared>> -> memref<640x128xf32, #tpu.memory_space<vmem_shared>>
        tpu.wait_dma2 semaphore(%run_scoped3A : memref<!tpu.dma_semaphore, #tpu.memory_space<semaphore_mem>>) src(%dma_wait3A_225 : memref<640x128xf32, #tpu.memory_space<vmem_shared>>) dst(%dma_wait3A_223 : memref<640x128xf32, #tpu.memory_space<hbm>>)
        tpu.yield
      }) : () -> ()
      %mul3A_214 = arith.constant 640 : i32
      %mul3A_215 = arith.muli %arg1, %mul3A_214 : i32
      %mul3A_216 = arith.constant 640 : i32
      %mul3A_217 = arith.muli %arg1, %mul3A_216 : i32
      "tpu.region"() ({
        %run_scoped3A = tpu.sem_alloc : memref<!tpu.dma_semaphore, #tpu.memory_space<semaphore_mem>>
        %dma_start3A_218 = tpu.memref_slice %arg6[%mul3A_217] : memref<10240xf32, #tpu.memory_space<hbm>> -> memref<640xf32, #tpu.memory_space<hbm>>
        %dma_start3A_219 = tpu.memref_slice %arg20[%mul3A_215] : memref<10240xf32, #tpu.memory_space<vmem_shared>> -> memref<640xf32, #tpu.memory_space<vmem_shared>>
        tpu.enqueue_dma source(%dma_start3A_219 : memref<640xf32, #tpu.memory_space<vmem_shared>>) target(%dma_start3A_218 : memref<640xf32, #tpu.memory_space<hbm>>) target_semaphore(%run_scoped3A : memref<!tpu.dma_semaphore, #tpu.memory_space<semaphore_mem>>)
        %dma_wait3A_220 = tpu.memref_slice %arg6[%mul3A_217] : memref<10240xf32, #tpu.memory_space<hbm>> -> memref<640xf32, #tpu.memory_space<hbm>>
        %dma_wait3A_221 = tpu.memref_slice %arg20[%mul3A_215] : memref<10240xf32, #tpu.memory_space<vmem_shared>> -> memref<640xf32, #tpu.memory_space<vmem_shared>>
        tpu.wait_dma2 semaphore(%run_scoped3A : memref<!tpu.dma_semaphore, #tpu.memory_space<semaphore_mem>>) src(%dma_wait3A_221 : memref<640xf32, #tpu.memory_space<vmem_shared>>) dst(%dma_wait3A_220 : memref<640xf32, #tpu.memory_space<hbm>>)
        tpu.yield
      }) : () -> ()
    } else {
    }
    %eq3A_205 = arith.constant 1 : i32
    %eq3A_206 = arith.cmpi eq, %arg0, %eq3A_205 : i32
    %convert_element_type3A_207 = arith.extui %eq3A_206 : i1 to i32
    %cond3A_208 = arith.constant 0 : i32
    %cond3A_209 = arith.cmpi ne, %convert_element_type3A_207, %cond3A_208 : i32
    scf.if %cond3A_209 {
      %mul3A_210 = arith.constant 640 : i32
      %mul3A_211 = arith.muli %arg1, %mul3A_210 : i32
      %mul3A_212 = arith.constant 640 : i32
      %mul3A_213 = arith.muli %arg1, %mul3A_212 : i32
      "tpu.region"() ({
        %run_scoped3A = tpu.sem_alloc : memref<!tpu.dma_semaphore, #tpu.memory_space<semaphore_mem>>
        %dma_start3A_218 = arith.constant 0 : i32
        %dma_start3A_219 = tpu.memref_slice %arg5[%mul3A_213, %dma_start3A_218] : memref<10240x128xf32, #tpu.memory_space<hbm>> -> memref<640x128xf32, #tpu.memory_space<hbm>>
        %dma_start3A_220 = arith.constant 0 : i32
        %dma_start3A_221 = tpu.memref_slice %arg19[%mul3A_211, %dma_start3A_220] : memref<10240x128xf32, #tpu.memory_space<vmem_shared>> -> memref<640x128xf32, #tpu.memory_space<vmem_shared>>
        tpu.enqueue_dma source(%dma_start3A_221 : memref<640x128xf32, #tpu.memory_space<vmem_shared>>) target(%dma_start3A_219 : memref<640x128xf32, #tpu.memory_space<hbm>>) target_semaphore(%run_scoped3A : memref<!tpu.dma_semaphore, #tpu.memory_space<semaphore_mem>>)
        %dma_wait3A_222 = arith.constant 0 : i32
        %dma_wait3A_223 = tpu.memref_slice %arg5[%mul3A_213, %dma_wait3A_222] : memref<10240x128xf32, #tpu.memory_space<hbm>> -> memref<640x128xf32, #tpu.memory_space<hbm>>
        %dma_wait3A_224 = arith.constant 0 : i32
        %dma_wait3A_225 = tpu.memref_slice %arg19[%mul3A_211, %dma_wait3A_224] : memref<10240x128xf32, #tpu.memory_space<vmem_shared>> -> memref<640x128xf32, #tpu.memory_space<vmem_shared>>
        tpu.wait_dma2 semaphore(%run_scoped3A : memref<!tpu.dma_semaphore, #tpu.memory_space<semaphore_mem>>) src(%dma_wait3A_225 : memref<640x128xf32, #tpu.memory_space<vmem_shared>>) dst(%dma_wait3A_223 : memref<640x128xf32, #tpu.memory_space<hbm>>)
        tpu.yield
      }) : () -> ()
      %mul3A_214 = arith.constant 640 : i32
      %mul3A_215 = arith.muli %arg1, %mul3A_214 : i32
      %mul3A_216 = arith.constant 640 : i32
      %mul3A_217 = arith.muli %arg1, %mul3A_216 : i32
      "tpu.region"() ({
        %run_scoped3A = tpu.sem_alloc : memref<!tpu.dma_semaphore, #tpu.memory_space<semaphore_mem>>
        %dma_start3A_218 = tpu.memref_slice %arg7[%mul3A_217] : memref<10240xf32, #tpu.memory_space<hbm>> -> memref<640xf32, #tpu.memory_space<hbm>>
        %dma_start3A_219 = tpu.memref_slice %arg20[%mul3A_215] : memref<10240xf32, #tpu.memory_space<vmem_shared>> -> memref<640xf32, #tpu.memory_space<vmem_shared>>
        tpu.enqueue_dma source(%dma_start3A_219 : memref<640xf32, #tpu.memory_space<vmem_shared>>) target(%dma_start3A_218 : memref<640xf32, #tpu.memory_space<hbm>>) target_semaphore(%run_scoped3A : memref<!tpu.dma_semaphore, #tpu.memory_space<semaphore_mem>>)
        %dma_wait3A_220 = tpu.memref_slice %arg7[%mul3A_217] : memref<10240xf32, #tpu.memory_space<hbm>> -> memref<640xf32, #tpu.memory_space<hbm>>
        %dma_wait3A_221 = tpu.memref_slice %arg20[%mul3A_215] : memref<10240xf32, #tpu.memory_space<vmem_shared>> -> memref<640xf32, #tpu.memory_space<vmem_shared>>
        tpu.wait_dma2 semaphore(%run_scoped3A : memref<!tpu.dma_semaphore, #tpu.memory_space<semaphore_mem>>) src(%dma_wait3A_221 : memref<640xf32, #tpu.memory_space<vmem_shared>>) dst(%dma_wait3A_220 : memref<640xf32, #tpu.memory_space<hbm>>)
        tpu.yield
      }) : () -> ()
    } else {
    }
    return
  }
}

module attributes {stable_mosaic.version = 14 : i64} {
  func.func @body(%arg0: i32, %arg1: memref<1024x128xf32, #tpu.memory_space<vmem>>, %arg2: memref<1024x128xf32, #tpu.memory_space<vmem>>, %arg3: memref<1024x128xf32, #tpu.memory_space<vmem>>, %arg4: memref<8x128xf32, #tpu.memory_space<vmem>>, %arg5: memref<8x128xf32, #tpu.memory_space<vmem>>, %arg6: memref<256x128xf32, #tpu.memory_space<vmem>>, %arg7: memref<1x128xf32, #tpu.memory_space<vmem>>, %arg8: memref<1024x128xf32, #tpu.memory_space<vmem>>) attributes {dimension_semantics = [#tpu.dimension_semantics<arbitrary>], iteration_bounds = array<i64: 10>, scalar_prefetch = 0 : i64, scratch_operands = 0 : i64, tpu.core_type = #tpu.core_type<tc>, window_params = [{transform_indices = @transform_0, window_bounds = array<i64: 1024, 128>}, {transform_indices = @transform_1, window_bounds = array<i64: 1024, 128>}, {transform_indices = @transform_2, window_bounds = array<i64: 1024, 128>}, {transform_indices = @transform_3, window_bounds = array<i64: 8, 128>}, {transform_indices = @transform_4, window_bounds = array<i64: 8, 128>}, {pipeline_mode = #tpu.pipeline_mode<synchronous>, transform_indices = @transform_5, window_bounds = array<i64: 256, 128>}, {pipeline_mode = #tpu.pipeline_mode<synchronous>, transform_indices = @transform_6, window_bounds = array<i64: 1, 128>}, {transform_indices = @transform_7, window_bounds = array<i64: 1024, 128>}]} {
    %get3A = arith.constant 0 : index
    %get3A_0 = arith.constant 0 : index
    %get3A_1 = vector.load %arg4[%get3A, %get3A_0] : memref<8x128xf32, #tpu.memory_space<vmem>>, vector<8x128xf32>
    %get3A_2 = arith.constant 0 : index
    %get3A_3 = arith.constant 0 : index
    %get3A_4 = vector.load %arg5[%get3A_2, %get3A_3] : memref<8x128xf32, #tpu.memory_space<vmem>>, vector<8x128xf32>
    %add3A = arith.addf %get3A_1, %get3A_4 : vector<8x128xf32>
    %gt3A = arith.constant 0.000000e+00 : f32
    %gt3A_5 = vector.broadcast %gt3A : f32 to vector<8x128xf32>
    %gt3A_6 = arith.cmpf ogt, %add3A, %gt3A_5 : vector<8x128xf32>
    %div3A = arith.constant 1.000000e+00 : f32
    %div3A_7 = vector.broadcast %div3A : f32 to vector<8x128xf32>
    %div3A_8 = arith.divf %div3A_7, %add3A : vector<8x128xf32>
    %jit3A = arith.constant 0.000000e+00 : f32
    %broadcast_in_dim3A = vector.broadcast %jit3A : f32 to vector<8x128xf32>
    %select_n3A = arith.select %gt3A_6, %div3A_8, %broadcast_in_dim3A : vector<8x128xi1>, vector<8x128xf32>
    %iota3A = tpu.iota {dimensions = array<i32: 0>} : vector<128x128xi32>
    %iota3A_9 = tpu.iota {dimensions = array<i32: 1>} : vector<128x128xi32>
    %eq3A = arith.cmpi eq, %iota3A, %iota3A_9 : vector<128x128xi32>
    %jit3A_10 = arith.constant 1.000000e+00 : f32
    %jit3A_11 = arith.constant 0.000000e+00 : f32
    %broadcast_in_dim3A_12 = vector.broadcast %jit3A_10 : f32 to vector<128x128xf32>
    %broadcast_in_dim3A_13 = vector.broadcast %jit3A_11 : f32 to vector<128x128xf32>
    %select_n3A_14 = arith.select %eq3A, %broadcast_in_dim3A_12, %broadcast_in_dim3A_13 : vector<128x128xi1>, vector<128x128xf32>
    %slice3A = vector.extract_strided_slice %select_n3A {offsets = [0, 0], sizes = [1, 128], strides = [1, 1]} : vector<8x128xf32> to vector<1x128xf32>
    %squeeze3A = vector.shape_cast %slice3A : vector<1x128xf32> to vector<128xf32>
    %broadcast_in_dim3A_15 = vector.shape_cast %squeeze3A : vector<128xf32> to vector<1x128xf32>
    %mul3A = vector.broadcast %broadcast_in_dim3A_15 : vector<1x128xf32> to vector<128x128xf32>
    %mul3A_16 = arith.mulf %select_n3A_14, %mul3A : vector<128x128xf32>
    %reduce_sum3A = arith.constant dense<0.000000e+00> : vector<128xf32>
    %reduce_sum3A_17 = vector.multi_reduction <add>, %mul3A_16, %reduce_sum3A [1] : vector<128x128xf32> to vector<128xf32>
    %broadcast_in_dim3A_18 = vector.shape_cast %reduce_sum3A_17 : vector<128xf32> to vector<128x1xf32>
    %slice3A_19 = vector.extract_strided_slice %select_n3A {offsets = [1, 0], sizes = [1, 128], strides = [1, 1]} : vector<8x128xf32> to vector<1x128xf32>
    %squeeze3A_20 = vector.shape_cast %slice3A_19 : vector<1x128xf32> to vector<128xf32>
    %broadcast_in_dim3A_21 = vector.shape_cast %squeeze3A_20 : vector<128xf32> to vector<1x128xf32>
    %mul3A_22 = vector.broadcast %broadcast_in_dim3A_21 : vector<1x128xf32> to vector<128x128xf32>
    %mul3A_23 = arith.mulf %select_n3A_14, %mul3A_22 : vector<128x128xf32>
    %reduce_sum3A_24 = arith.constant dense<0.000000e+00> : vector<128xf32>
    %reduce_sum3A_25 = vector.multi_reduction <add>, %mul3A_23, %reduce_sum3A_24 [1] : vector<128x128xf32> to vector<128xf32>
    %broadcast_in_dim3A_26 = vector.shape_cast %reduce_sum3A_25 : vector<128xf32> to vector<128x1xf32>
    %slice3A_27 = vector.extract_strided_slice %select_n3A {offsets = [2, 0], sizes = [1, 128], strides = [1, 1]} : vector<8x128xf32> to vector<1x128xf32>
    %squeeze3A_28 = vector.shape_cast %slice3A_27 : vector<1x128xf32> to vector<128xf32>
    %broadcast_in_dim3A_29 = vector.shape_cast %squeeze3A_28 : vector<128xf32> to vector<1x128xf32>
    %mul3A_30 = vector.broadcast %broadcast_in_dim3A_29 : vector<1x128xf32> to vector<128x128xf32>
    %mul3A_31 = arith.mulf %select_n3A_14, %mul3A_30 : vector<128x128xf32>
    %reduce_sum3A_32 = arith.constant dense<0.000000e+00> : vector<128xf32>
    %reduce_sum3A_33 = vector.multi_reduction <add>, %mul3A_31, %reduce_sum3A_32 [1] : vector<128x128xf32> to vector<128xf32>
    %broadcast_in_dim3A_34 = vector.shape_cast %reduce_sum3A_33 : vector<128xf32> to vector<128x1xf32>
    %slice3A_35 = vector.extract_strided_slice %select_n3A {offsets = [3, 0], sizes = [1, 128], strides = [1, 1]} : vector<8x128xf32> to vector<1x128xf32>
    %squeeze3A_36 = vector.shape_cast %slice3A_35 : vector<1x128xf32> to vector<128xf32>
    %broadcast_in_dim3A_37 = vector.shape_cast %squeeze3A_36 : vector<128xf32> to vector<1x128xf32>
    %mul3A_38 = vector.broadcast %broadcast_in_dim3A_37 : vector<1x128xf32> to vector<128x128xf32>
    %mul3A_39 = arith.mulf %select_n3A_14, %mul3A_38 : vector<128x128xf32>
    %reduce_sum3A_40 = arith.constant dense<0.000000e+00> : vector<128xf32>
    %reduce_sum3A_41 = vector.multi_reduction <add>, %mul3A_39, %reduce_sum3A_40 [1] : vector<128x128xf32> to vector<128xf32>
    %broadcast_in_dim3A_42 = vector.shape_cast %reduce_sum3A_41 : vector<128xf32> to vector<128x1xf32>
    %slice3A_43 = vector.extract_strided_slice %select_n3A {offsets = [4, 0], sizes = [1, 128], strides = [1, 1]} : vector<8x128xf32> to vector<1x128xf32>
    %squeeze3A_44 = vector.shape_cast %slice3A_43 : vector<1x128xf32> to vector<128xf32>
    %broadcast_in_dim3A_45 = vector.shape_cast %squeeze3A_44 : vector<128xf32> to vector<1x128xf32>
    %mul3A_46 = vector.broadcast %broadcast_in_dim3A_45 : vector<1x128xf32> to vector<128x128xf32>
    %mul3A_47 = arith.mulf %select_n3A_14, %mul3A_46 : vector<128x128xf32>
    %reduce_sum3A_48 = arith.constant dense<0.000000e+00> : vector<128xf32>
    %reduce_sum3A_49 = vector.multi_reduction <add>, %mul3A_47, %reduce_sum3A_48 [1] : vector<128x128xf32> to vector<128xf32>
    %broadcast_in_dim3A_50 = vector.shape_cast %reduce_sum3A_49 : vector<128xf32> to vector<128x1xf32>
    %slice3A_51 = vector.extract_strided_slice %select_n3A {offsets = [5, 0], sizes = [1, 128], strides = [1, 1]} : vector<8x128xf32> to vector<1x128xf32>
    %squeeze3A_52 = vector.shape_cast %slice3A_51 : vector<1x128xf32> to vector<128xf32>
    %broadcast_in_dim3A_53 = vector.shape_cast %squeeze3A_52 : vector<128xf32> to vector<1x128xf32>
    %mul3A_54 = vector.broadcast %broadcast_in_dim3A_53 : vector<1x128xf32> to vector<128x128xf32>
    %mul3A_55 = arith.mulf %select_n3A_14, %mul3A_54 : vector<128x128xf32>
    %reduce_sum3A_56 = arith.constant dense<0.000000e+00> : vector<128xf32>
    %reduce_sum3A_57 = vector.multi_reduction <add>, %mul3A_55, %reduce_sum3A_56 [1] : vector<128x128xf32> to vector<128xf32>
    %broadcast_in_dim3A_58 = vector.shape_cast %reduce_sum3A_57 : vector<128xf32> to vector<128x1xf32>
    %slice3A_59 = vector.extract_strided_slice %select_n3A {offsets = [6, 0], sizes = [1, 128], strides = [1, 1]} : vector<8x128xf32> to vector<1x128xf32>
    %squeeze3A_60 = vector.shape_cast %slice3A_59 : vector<1x128xf32> to vector<128xf32>
    %broadcast_in_dim3A_61 = vector.shape_cast %squeeze3A_60 : vector<128xf32> to vector<1x128xf32>
    %mul3A_62 = vector.broadcast %broadcast_in_dim3A_61 : vector<1x128xf32> to vector<128x128xf32>
    %mul3A_63 = arith.mulf %select_n3A_14, %mul3A_62 : vector<128x128xf32>
    %reduce_sum3A_64 = arith.constant dense<0.000000e+00> : vector<128xf32>
    %reduce_sum3A_65 = vector.multi_reduction <add>, %mul3A_63, %reduce_sum3A_64 [1] : vector<128x128xf32> to vector<128xf32>
    %broadcast_in_dim3A_66 = vector.shape_cast %reduce_sum3A_65 : vector<128xf32> to vector<128x1xf32>
    %slice3A_67 = vector.extract_strided_slice %select_n3A {offsets = [7, 0], sizes = [1, 128], strides = [1, 1]} : vector<8x128xf32> to vector<1x128xf32>
    %squeeze3A_68 = vector.shape_cast %slice3A_67 : vector<1x128xf32> to vector<128xf32>
    %broadcast_in_dim3A_69 = vector.shape_cast %squeeze3A_68 : vector<128xf32> to vector<1x128xf32>
    %mul3A_70 = vector.broadcast %broadcast_in_dim3A_69 : vector<1x128xf32> to vector<128x128xf32>
    %mul3A_71 = arith.mulf %select_n3A_14, %mul3A_70 : vector<128x128xf32>
    %reduce_sum3A_72 = arith.constant dense<0.000000e+00> : vector<128xf32>
    %reduce_sum3A_73 = vector.multi_reduction <add>, %mul3A_71, %reduce_sum3A_72 [1] : vector<128x128xf32> to vector<128xf32>
    %broadcast_in_dim3A_74 = vector.shape_cast %reduce_sum3A_73 : vector<128xf32> to vector<128x1xf32>
    %concatenate3A = tpu.concatenate %broadcast_in_dim3A_18, %broadcast_in_dim3A_26, %broadcast_in_dim3A_34, %broadcast_in_dim3A_42, %broadcast_in_dim3A_50, %broadcast_in_dim3A_58, %broadcast_in_dim3A_66, %broadcast_in_dim3A_74 in 0 : vector<128x1xf32>, vector<128x1xf32>, vector<128x1xf32>, vector<128x1xf32>, vector<128x1xf32>, vector<128x1xf32>, vector<128x1xf32>, vector<128x1xf32> -> vector<1024x1xf32>
    %get3A_75 = arith.constant 0 : index
    %get3A_76 = arith.constant 0 : index
    %get3A_77 = vector.load %arg2[%get3A_75, %get3A_76] : memref<1024x128xf32, #tpu.memory_space<vmem>>, vector<1024x128xf32>
    %get3A_78 = arith.constant 0 : index
    %get3A_79 = arith.constant 0 : index
    %get3A_80 = vector.load %arg3[%get3A_78, %get3A_79] : memref<1024x128xf32, #tpu.memory_space<vmem>>, vector<1024x128xf32>
    %add3A_81 = arith.addf %get3A_77, %get3A_80 : vector<1024x128xf32>
    %mul3A_82 = vector.broadcast %concatenate3A : vector<1024x1xf32> to vector<1024x128xf32>
    %mul3A_83 = arith.mulf %add3A_81, %mul3A_82 : vector<1024x128xf32>
    %get3A_84 = arith.constant 0 : index
    %get3A_85 = arith.constant 0 : index
    %get3A_86 = vector.load %arg6[%get3A_84, %get3A_85] : memref<256x128xf32, #tpu.memory_space<vmem>>, vector<256x128xf32>
    %get3A_87 = arith.constant 0 : index
    %get3A_88 = arith.constant 0 : index
    %get3A_89 = vector.load %arg1[%get3A_87, %get3A_88] : memref<1024x128xf32, #tpu.memory_space<vmem>>, vector<1024x128xf32>
    %slice3A_90 = vector.extract_strided_slice %get3A_86 {offsets = [0, 0], sizes = [128, 128], strides = [1, 1]} : vector<256x128xf32> to vector<128x128xf32>
    %dot_general3A = arith.constant dense<0.000000e+00> : vector<1024x128xf32>
    %dot_general3A_91 = tpu.matmul %get3A_89, %slice3A_90, %dot_general3A {dimension_numbers = #tpu.dot_dimension_numbers<[1], [0], [0], [1], [0, 0, 1, 1], [], []>, transpose_lhs_hint = false} : vector<1024x128xf32>, vector<128x128xf32>, vector<1024x128xf32> -> vector<1024x128xf32>
    %slice3A_92 = vector.extract_strided_slice %get3A_86 {offsets = [128, 0], sizes = [128, 128], strides = [1, 1]} : vector<256x128xf32> to vector<128x128xf32>
    %dot_general3A_93 = arith.constant dense<0.000000e+00> : vector<1024x128xf32>
    %dot_general3A_94 = tpu.matmul %mul3A_83, %slice3A_92, %dot_general3A_93 {dimension_numbers = #tpu.dot_dimension_numbers<[1], [0], [0], [1], [0, 0, 1, 1], [], []>, transpose_lhs_hint = false} : vector<1024x128xf32>, vector<128x128xf32>, vector<1024x128xf32> -> vector<1024x128xf32>
    %add3A_95 = arith.addf %dot_general3A_91, %dot_general3A_94 : vector<1024x128xf32>
    %get3A_96 = arith.constant 0 : index
    %get3A_97 = arith.constant 0 : index
    %get3A_98 = vector.load %arg7[%get3A_96, %get3A_97] : memref<1x128xf32, #tpu.memory_space<vmem>>, vector<1x128xf32>
    %add3A_99 = vector.broadcast %get3A_98 : vector<1x128xf32> to vector<1024x128xf32>
    %add3A_100 = arith.addf %add3A_95, %add3A_99 : vector<1024x128xf32>
    %max3A = arith.constant 0.000000e+00 : f32
    %max3A_101 = vector.broadcast %max3A : f32 to vector<1024x128xf32>
    %max3A_102 = arith.maximumf %add3A_100, %max3A_101 : vector<1024x128xf32>
    %swap3A = arith.constant 0 : index
    %swap3A_103 = arith.constant 0 : index
    %swap3A_104 = vector.load %arg8[%swap3A, %swap3A_103] : memref<1024x128xf32, #tpu.memory_space<vmem>>, vector<1024x128xf32>
    tpu.vector_store %arg8[%swap3A, %swap3A_103], %max3A_102 {strides = array<i32>} : memref<1024x128xf32, #tpu.memory_space<vmem>>, vector<1024x128xf32>,
    return
  }
  func.func @transform_0(%arg0: i32) -> (i32, i32) {
    %c0_i32 = arith.constant 0 : i32
    %c0_i32_0 = arith.constant 0 : i32
    return %arg0, %c0_i32 : i32, i32
  }
  func.func @transform_1(%arg0: i32) -> (i32, i32) {
    %c0_i32 = arith.constant 0 : i32
    %c0_i32_0 = arith.constant 0 : i32
    return %arg0, %c0_i32 : i32, i32
  }
  func.func @transform_2(%arg0: i32) -> (i32, i32) {
    %c0_i32 = arith.constant 0 : i32
    %c0_i32_0 = arith.constant 0 : i32
    return %arg0, %c0_i32 : i32, i32
  }
  func.func @transform_3(%arg0: i32) -> (i32, i32) {
    %c0_i32 = arith.constant 0 : i32
    %c0_i32_0 = arith.constant 0 : i32
    return %arg0, %c0_i32 : i32, i32
  }
  func.func @transform_4(%arg0: i32) -> (i32, i32) {
    %c0_i32 = arith.constant 0 : i32
    %c0_i32_0 = arith.constant 0 : i32
    return %arg0, %c0_i32 : i32, i32
  }
  func.func @transform_5(%arg0: i32) -> (i32, i32) {
    %c0_i32 = arith.constant 0 : i32
    %c0_i32_0 = arith.constant 0 : i32
    %c0_i32_1 = arith.constant 0 : i32
    return %c0_i32, %c0_i32_0 : i32, i32
  }
  func.func @transform_6(%arg0: i32) -> (i32, i32) {
    %c0_i32 = arith.constant 0 : i32
    %c0_i32_0 = arith.constant 0 : i32
    %c0_i32_1 = arith.constant 0 : i32
    return %c0_i32, %c0_i32_0 : i32, i32
  }
  func.func @transform_7(%arg0: i32) -> (i32, i32) {
    %c0_i32 = arith.constant 0 : i32
    %c0_i32_0 = arith.constant 0 : i32
    return %arg0, %c0_i32 : i32, i32
  }
}

</mosaic_0001>

<sc_bundles>
// kernel: kernel.5.cloned.1.call-start
scs
__scs_entry_jumppad:
0x0: {  	(pc) =	sbr.rel $0x88, $3  }
0x1: {  	(tag) =	ssettag $0x0;
	lr =	simm.s32 $0x1  }
0x2: {  	[smem:$0x3F9D] =	sst lr;
	_ =	strace $0xD0000000  }
0x3: {  	_ = 	snop  }
0x4: {  	_ = 	snop  }
0x5: {  	_ = 	snop  }
0x6: {  	_ = 	snop  }
0x7: {  	_ = 	snop  }
__scs_overlays_trampoline_lowered:
0x8: {  	[smem:$0x3FAC] =	sst s0  }
0x9: {  	[smem:$0x3FAD] =	sst s1  }
0xa: {  	[smem:$0x3FAE] =	sst s2  }
0xb: {  	[smem:$0x3FAF] =	sst s3  }
0xc: {  	[smem:$0x3FB0] =	sst s4  }
0xd: {  	[smem:$0x3FB1] =	sst s5  }
0xe: {  	[smem:$0x3FB2] =	sst s6  }
0xf: {  	[smem:$0x3FB3] =	sst s7  }
0x10: {  	[smem:$0x3FB4] =	sst s8  }
0x11: {  	[smem:$0x3FB5] =	sst s9;
	s0 =	simm.s32 @!p0 $0x0  }
0x12: {  	s1 =	sld [smem:$0x3F9B];
	s0 =	simm.s32 @p0 $0x1  }
0x13: {  	[smem:$0x3FB6] =	sst s0;
	s0 =	simm.s32 @!p1 $0x0  }
0x14: {  	s2 =	sld [smem:$0x3F9A];
	s0 =	simm.s32 @p1 $0x1  }
0x15: {  	[smem:$0x3FB7] =	sst s0;
	s0 =	simm.s32 @!p2 $0x0  }
0x16: {  	s3 =	sld [smem:$0x3FDB];
	s0 =	simm.s32 @p2 $0x1  }
0x17: {  	s4 =	simm.s32 $0x1BF5;
	[smem:$0x3FB9] =	sst s0  }
0x18: {  	s0 =	sld [smem:$0x3F9C];
	_ =	swait.ge [sflag:s4], $0x0  }
0x19: {  	s7 =	sld [smem:$0x3F9D]  }
0x1a: {  	s8 =	sadd.s32 $0xFFFFE003, lr  }
0x1b: {  	s9 =	sadd.s32 $0xFFFFFEF7, lr;
	s5 =	simm.s32 $0xFFFFFFFF;
	p2 =	slt.u32 s8, $0xFFFFF086  }
0x1c: {  	p1 =	slt.u32 s9, $0xF7A;
	s5 =	simm.s32 @!p2 $0x0  }
0x1d: {  	s5 =	simm.s32 @p1 $0x1;
	p0 =	seq.s32 s7, s2  }
0x1e: {  	s7 =	smul.u32 @!p0 $0xF7A, s2;
	p2 =	seq.s32 @!p0 s5, $0x0  }
0x1f: {  	s9 =	smul.u32 $0xF7A, s1;
	s8 =	simm.s32 @!p0 $0x1BF5;
	p2 =	por !p2, p0  }
0x20: {  	[sflag:s8] =	ssyncset.s32 @!p0 $0xFFFFF086;
	s6 =	sadd.s32 @!p0 s3, s7;
	s7 =	simm.s32 @!p0 $0x108  }
0x21: {  	s3 =	sadd.s32 s3, s9;
	s6 =	sadd.s32 @!p0 $0x88, s6;
	s7 =	simm.s32 @p2 $0x1082  }
0x22: {  	[simem:s7], [sflag:s8] =	dma.local @!p0 [hbm:s6], $0xF7A  }
0x23: {  	s9 =	sor.u32 $0xD0000000, s2;
	s6 =	simm.s32 $0x108;
	_ =	swait.ge @!p0 [sflag:s8], $0x0  }
0x24: {  	s3 =	sadd.s32 $0x88, s3;
	s6 =	simm.s32 @!p1 $0x1082;
	[sflag:s4] =	ssyncset.s32 $0xFFFFF086  }
0x25: {  	[simem:s6], [sflag:s4] =	dma.local [hbm:s3], $0xF7A  }
0x26: {  	[smem:$0x3F9D] =	sst s1;
	(tag) =	ssettag s2;
	_ =	strace s9  }
0x27: {  	s1 =	sld [smem:$0x3FAD]  }
0x28: {  	s2 =	sld [smem:$0x3FAE]  }
0x29: {  	s4 =	sld [smem:$0x3FB0]  }
0x2a: {  	p0 =	seq.s32 s5, $0x0;
	s5 =	sld [smem:$0x3FB1]  }
0x2b: {  	s6 =	sld [smem:$0x3FB2]  }
0x2c: {  	s7 =	sld [smem:$0x3FB3]  }
0x2d: {  	s3 =	simm.s32 $0x108;
	s8 =	sld [smem:$0x3FB4]  }
0x2e: {  	s3 =	simm.s32 @!p0 $0x1082;
	s9 =	sld [smem:$0x3FB5]  }
0x2f: {  	lr =	sadd.s32 s0, s3;
	s0 =	sld [smem:$0x3FAC]  }
0x30: {  	s3 =	sld [smem:$0x3FAF]  }
0x31: {  	[smem:$0x3FB8] =	sst s10  }
0x32: {  	s10 =	sld [smem:$0x3FB6];
	_ =	sdelay $0x3  }
0x33: {  	p0 =	seq.s32 s10, $0x1;
	s10 =	sld [smem:$0x3FB8];
	_ =	sdelay $0x3  }
0x34: {  	[smem:$0x3FB8] =	sst s10  }
0x35: {  	s10 =	sld [smem:$0x3FB7];
	_ =	sdelay $0x3  }
0x36: {  	p1 =	seq.s32 s10, $0x1;
	s10 =	sld [smem:$0x3FB8];
	_ =	sdelay $0x3  }
0x37: {  	[smem:$0x3FB8] =	sst s10  }
0x38: {  	s10 =	sld [smem:$0x3FB9]  }
0x39: {  	_ = 	snop;
	(pc) =	sbr.ind lr, $3  }
0x3a: {  	_ = 	snop  }
0x3b: {  	_ = 	snop  }
0x3c: {  	p2 =	seq.s32 s10, $0x1;
	s10 =	sld [smem:$0x3FB8]  }
0x3d: {  	_ =	shalt  }
0x3e: {  	_ =	shalt  }
0x3f: {  	_ =	shalt  }
0x40: {  	_ =	shalt  }
0x41: {  	_ =	shalt  }
0x42: {  	_ =	shalt  }
0x43: {  	_ =	shalt  }
0x44: {  	_ =	shalt  }
0x45: {  	_ =	shalt  }
0x46: {  	_ =	shalt  }
0x47: {  	_ =	shalt  }
0x48: {  	_ =	shalt  }
0x49: {  	_ =	shalt  }
0x4a: {  	_ =	shalt  }
0x4b: {  	_ =	shalt  }
0x4c: {  	_ =	shalt  }
0x4d: {  	_ =	shalt  }
0x4e: {  	_ =	shalt  }
0x4f: {  	_ =	shalt  }
0x50: {  	_ =	shalt  }
0x51: {  	_ =	shalt  }
0x52: {  	_ =	shalt  }
0x53: {  	_ =	shalt  }
0x54: {  	_ =	shalt  }
0x55: {  	_ =	shalt  }
0x56: {  	_ =	shalt  }
0x57: {  	_ =	shalt  }
0x58: {  	_ =	shalt  }
0x59: {  	_ =	shalt  }
0x5a: {  	_ =	shalt  }
0x5b: {  	_ =	shalt  }
0x5c: {  	_ =	shalt  }
0x5d: {  	_ =	shalt  }
0x5e: {  	_ =	shalt  }
0x5f: {  	_ =	shalt  }
0x60: {  	_ =	shalt  }
0x61: {  	_ =	shalt  }
0x62: {  	_ =	shalt  }
0x63: {  	_ =	shalt  }
0x64: {  	_ =	shalt  }
0x65: {  	_ =	shalt  }
0x66: {  	_ =	shalt  }
0x67: {  	_ =	shalt  }
0x68: {  	_ =	shalt  }
0x69: {  	_ =	shalt  }
0x6a: {  	_ =	shalt  }
0x6b: {  	_ =	shalt  }
0x6c: {  	_ =	shalt  }
0x6d: {  	_ =	shalt  }
0x6e: {  	_ =	shalt  }
0x6f: {  	_ =	shalt  }
0x70: {  	_ =	shalt  }
0x71: {  	_ =	shalt  }
0x72: {  	_ =	shalt  }
0x73: {  	_ =	shalt  }
0x74: {  	_ =	shalt  }
0x75: {  	_ =	shalt  }
0x76: {  	_ =	shalt  }
0x77: {  	_ =	shalt  }
0x78: {  	_ =	shalt  }
0x79: {  	_ =	shalt  }
0x7a: {  	_ =	shalt  }
0x7b: {  	_ =	shalt  }
0x7c: {  	_ =	shalt  }
0x7d: {  	_ =	shalt  }
0x7e: {  	_ =	shalt  }
0x7f: {  	_ =	shalt  }
0x80: {  	_ =	shalt  }
0x81: {  	_ =	shalt  }
0x82: {  	_ =	shalt  }
0x83: {  	_ =	shalt  }
0x84: {  	_ =	shalt  }
0x85: {  	_ =	shalt  }
0x86: {  	_ =	shalt  }
0x87: {  	_ =	shalt  }
.Lfunc_end0:
.L_simem_size_0:
called_computation_lowered:
.L_overlay_start_0:
0x88: {  	s2 =	sld [smem:$0x3FD9]  }
0x89: {  	s3 =	sld [smem:$0x3FFE];
	_ =	sdelay $0x1  }
0x8a: {  	s1 =	srdreg.scid  }
0x8b: {  	s0 =	sand.u32 $0x1, s1  }
0x8c: {  	s17 =	sshll.u32 s0, $0xA;
	s2 =	sadd.s32 s3, s2  }
0x8d: {  	s2 =	sadd.s32 s2, s17  }
0x8e: {  	[smem:$0x3FC4] =	sst s2  }
0x8f: {  	_ = 	snop  }
0x90: {  	s2 =	sld [smem:$0x3FC9]  }
0x91: {  	s18 =	sld [smem:$0x3FD0];
	(tm) =	ssettm $0x1  }
0x92: {  	s4 =	sld [smem:$0x3FFB];
	_ =	sdelay $0x3  }
0x93: {  	_ =	strace s4  }
0x94: {  	s4 =	sld [smem:$0x3FFC];
	_ =	sdelay $0x3  }
0x95: {  	_ =	strace s4  }
0x96: {  	s4 =	sld [smem:$0x3FFD];
	_ =	sdelay $0x3  }
0x97: {  	_ =	strace s4  }
0x98: {  	_ =	strace $0x8FFFFFFF  }
0x99: {  	s19 =	sld [smem:$0x3FDB];
	_ =	sdelay $0x1  }
0x9a: {  	s5 =	simm.s32 $_scs_section_size  }
0x9b: {  	s6 =	simm.s32 $_size__tile_overlayer_lowered;
	s7 =	simm.s32 $_tile_overlayer_lowered  }
0x9c: {  	s22 =	simm.s32 $0x1BFF;
	s21 =	sshll.u32 s7, $0x1;
	s4 =	sadd.s32 s5, s19  }
0x9d: {  	s8 =	simm.s32 $0x0;
	s20 =	sshll.u32 s6, $0x1;
	s6 =	sadd.s32 s21, s4  }
0x9e: {  	[timem:s8], [sflag:s22] =	dma.local [hbm:s6], s20  }
0x9f: {  	_ =	swait.ge [sflag:s22], s20  }
0xa0: {  	s5 =	ssub.s32 $0x0, s20;
	[sflag:s22] =	ssyncset.done $0x0  }
0xa1: {  	[sflag:s22] =	ssyncadd.s32 s5;
	_ =	sdelay $0x1  }
0xa2: {  	s23 =	simm.s32 $0x1B8B  }
0xa3: {  	_ =	swait.ge [sflag:s23], $0x1  }
0xa4: {  	[sflag:s23] =	ssyncset.done $0x0  }
0xa5: {  	s25 =	simm.s32 $0x1B8E;
	s24 =	sld [smem:$0x3FFE];
	[sflag:s23] =	ssyncadd.s32 $0xFFFFFFFF  }
0xa6: {  	s26 =	simm.s32 $execute0_lowered;
	[smem:$0x3FD2] =	sst s25  }
0xa7: {  	s6 =	sshll.u32 s26, $0x1;
	_ =	strace $0x80000046;
	[dreg:$0x1] =	wrdreg $0xFFFFFFFF  }
0xa8: {  	s28 =	simm.s32 $_size_execute0_lowered;
	s4 =	sadd.s32 s4, s6;
	[dreg:$0x0] =	wrdreg $0x0  }
0xa9: {  	s6 =	sshll.u32 s28, $0x1;
	[dreg:$0x2] =	wrdreg s4  }
0xaa: {  	[dreg:$0x3] =	wrdreg s6  }
0xab: {  	[dreg:$0x4] =	wrdreg $0xC0  }
0xac: {  	_ =	task [dreg:s8], $0x5FFFF  }
0xad: {  	[dreg:$0x1] =	wrdreg $0xFFFFFFFF  }
0xae: {  	[dreg:$0x0] =	wrdreg $0x60  }
0xaf: {  	[dreg:$0x2] =	wrdreg s2  }
0xb0: {  	[dreg:$0x3] =	wrdreg s18  }
0xb1: {  	[dreg:$0x4] =	wrdreg s24  }
0xb2: {  	[dreg:$0x5] =	wrdreg $0xAE000  }
0xb3: {  	[dreg:$0x6] =	wrdreg $0x1EE000  }
0xb4: {  	[dreg:$0x7] =	wrdreg $0x9  }
0xb5: {  	_ =	task.clear_ibuf [dreg:s8], $0x8FFFF;
	_ =	strace $0x90000046  }
0xb6: {  	s29 =	simm.s32 $0x9;
	_ =	strace $0x80000048  }
0xb7: {  	_ =	swait.ge [sflag:s29], $0x1  }
0xb8: {  	[sflag:s29] =	ssyncadd.s32 $0xFFFFFFFF  }
0xb9: {  	_ =	strace $0x90000048  }
0xba: {  	_ =	sfence  }
0xbb: {  	s30 =	sld [smem:$0x0];
	_ =	sdelay $0x2  }
0xbc: {  	s31 =	sshll.u32 s1, $0xD;
	s1 =	sshrl.u32 s1, $0x2  }
0xbd: {  	s3 =	sand.u32 $0x4000, s31;
	s1 =	sadd.s32 s1, s30  }
0xbe: {  	s0 =	sor.u32 s3, s0;
	s1 =	sshll.u32 s1, $0x11  }
0xbf: {  	s0 =	sor.u32 s1, s0  }
0xc0: {  	s0 =	sadd.s32 $0x8F2B, s0  }
0xc1: {  	[sflag:s0] =	ssyncadd.remote.s32 $0x1  }
0xc2: {  	_ =	sfence.sel $0xFFFF  }
0xc3: {  	[dreg:$0x0] =	wrdreg $0xFFFFFFFF;
	(pc) =	sbr.abs _section_cstart, $3  }
0xc4: {  	[dreg:$0x1] =	wrdreg $0xFFFFFFFF  }
0xc5: {  	_ =	task.clear_ibuf [dreg:s8], $0x2FFFF;
	_ =	strace $0x9FFFFFFF  }
0xc6: {  	(tm) =	ssettm $0x7FFFFFFF  }
0xc7: {  	_ =	shalt  }
tec
execute0_lowered:
.L_overlay_start_1:
0x0: {  	(tag) =	ssettag $0x1  }
0x1: {  	s1 =	rddreg [dreg:$0x0]  }
0x2: {  	s2 =	rddreg [dreg:$0x1]  }
0x3: {  	s0 =	rddreg [dreg:$0x2]  }
0x4: {  	s4 =	rddreg [dreg:$0x3]  }
0x5: {  	s5 =	rddreg [dreg:$0x4]  }
0x6: {  	s17 =	stileid.u32;
	s6 =	simm.s32 $0x0;
	s3 =	srdreg.scid  }
0x7: {  	s7 =	smul.u32 $0x21, s17;
	[smem:$0x7FF] =	sst s6;
	s3 =	sand.u32 $0x1, s3  }
0x8: {  	s8 =	smul.u32 $0x93, s17;
	s10 =	sadd.s32 $0x1C00, s0;
	s11 =	sadd.s32 $0x29C00, s0  }
0x9: {  	s12 =	sadd.s32 $0x51C00, s0;
	s0 =	sadd.s32 $0x52200, s0;
	s14 =	smul.u32 $0x280, s17  }
0xa: {  	p0 =	seq.s32 s3, $0x0;
	s3 =	ssub.s32 $0x2, s3;
	s7 =	sadd.s32 $0x930, s7  }
0xb: {  	_ =	strace $0x80000047;
	s23 =	sshrl.u32 s3, $0x1;
	s7 =	smov.u32 @p0 s8  }
0xc: {  	s0 =	smov.u32 @p0 s12;
	s3 =	ssub.s32 s3, s23;
	s13 =	smul.u32 $0x70, s7  }
0xd: {  	s23 =	sadd.s32 s14, s5;
	s14 =	sshrl.u32 s14, $0x3;
	s3 =	smax.u32 s3, $0x1  }
0xe: {  	s0 =	sadd.s32 s0, s14;
	[dreg:$0x10] =	wrdreg s3;
	s9 =	sshrl.u32 s13, $0x3  }
0xf: {  	[dreg:$0x16] =	wrdreg s0;
	s24 =	sadd.s32 s2, s9  }
0x10: {  	s9 =	sadd.s32 $0x9D80, s24;
	[dreg:$0x8] =	wrdreg s24  }
0x11: {  	s7 =	simm.s32 $0x93;
	s25 =	sadd.s32 $0x9D8E, s24;
	[dreg:$0x9] =	wrdreg s9  }
0x12: {  	s7 =	simm.s32 @!p0 $0x21;
	s26 =	sadd.s32 $0xE, s24;
	[dreg:$0xa] =	wrdreg s25  }
0x13: {  	s15 =	smul.u32 $0xAB, s7;
	s28 =	sadd.s32 $0x9D9C, s24;
	[dreg:$0xb] =	wrdreg s26  }
0x14: {  	s16 =	smul.u32 $0x50000, s17;
	s8 =	sadd.s32 $0x1C, s24;
	[dreg:$0xc] =	wrdreg s28  }
0x15: {  	s29 =	simm.s32 $0x300;
	s31 =	sshrl.u32 s15, $0x9;
	[dreg:$0xd] =	wrdreg s8  }
0x16: {  	[dreg:$0xe] =	wrdreg s31;
	s8 =	sshrl.u32 s16, $0x2;
	s16 =	sadd.s32 $0xFFFFFFFE, s7  }
0x17: {  	s30 =	simm.s32 $0x7;
	s25 =	simm.s32 $0x7300;
	[dreg:$0x6] =	wrdreg s16  }
0x18: {  	s11 =	smov.u32 @p0 s10;
	s24 =	sadd.s32 s8, s4;
	[dreg:$0x7] =	wrdreg s25  }
0x19: {  	s9 =	smul.u32 $0x2800, s17;
	s18 =	sadd.s32 $0x2800, s24;
	[dreg:$0xf] =	wrdreg s24  }
0x1a: {  	s10 =	simm.s32 $0x280;
	s19 =	sadd.s32 $0x5000, s24;
	[dreg:$0x11] =	wrdreg s18  }
0x1b: {  	s12 =	simm.s32 $0x70;
	s20 =	sadd.s32 s11, s9;
	[dreg:$0x12] =	wrdreg s19  }
0x1c: {  	s14 =	simm.s32 $0x3B00;
	s21 =	sadd.s32 $0x7800, s24;
	[dreg:$0x13] =	wrdreg s20  }
0x1d: {  	s0 =	simm.s32 $0x180;
	s22 =	sadd.s32 $0xA000, s24;
	[dreg:$0x14] =	wrdreg s21  }
0x1e: {  	s3 =	simm.s32 $0x200;
	s26 =	sadd.s32 $0xC800, s24;
	[dreg:$0x15] =	wrdreg s22  }
0x1f: {  	s15 =	simm.s32 $0x4;
	s28 =	sadd.s32 $0xF000, s24;
	[dreg:$0x17] =	wrdreg s26  }
0x20: {  	s17 =	simm.s32 $0xAB00;
	s31 =	sadd.s32 $0x11800, s24;
	[dreg:$0x18] =	wrdreg s28  }
0x21: {  	s11 =	simm.s32 $0x1;
	s22 =	sadd.s32 $0x4EE30, s13;
	[dreg:$0x19] =	wrdreg s31  }
0x22: {  	v0 =	vimm.f32 $0.0e+00;
	v1 =	vimm.f32 $1.000000000e+00;
	s13 =	simm.s32 $0x2;
	s18 =	simm.s32 $0x5;
	s19 =	simm.s32 $0x6  }
.LBB2_1:
0x23: {  	s20 =	simm.s32 $0x70;
	s21 =	simm.s32 $0x3C0  }
.LBB2_2:
0x24: {  	p0 =	sne.s32 s21, $0x9FC0;
	[tilespmem:s20+$0x300] =	vst v0  }
0x25: {  	[tilespmem:s20+$0x290] =	vst v0  }
0x26: {  	[tilespmem:s20+$0x2A0] =	vst v0  }
.Ltmp0:
0x27: {  	[tilespmem:s20+$0x2B0] =	vst v0;
	(pc) =	sbr.rel @p0 .LBB2_2-.Ltmp0, $4  }
0x28: {  	[tilespmem:s20+$0x2C0] =	vst v0  }
0x29: {  	[tilespmem:s20+$0x2D0] =	vst v0  }
0x2a: {  	[tilespmem:s20+$0x2E0] =	vst v0  }
0x2b: {  	[tilespmem:s20+$0x2F0] =	vst v0;
	s20 =	sshra.s32 s21, $0x2;
	s21 =	sadd.s32 $0x200, s21  }
0x2c: {  	[tilespmem:s20+$0x300] =	vst v0  }
0x2d: {  	[tilespmem:s20+$0x290] =	vst v0  }
0x2e: {  	[tilespmem:s20+$0x2A0] =	vst v0  }
0x2f: {  	[tilespmem:s20+$0x2B0] =	vst v0  }
0x30: {  	[tilespmem:s20+$0x2C0] =	vst v0  }
0x31: {  	[tilespmem:s20+$0x2D0] =	vst v0  }
0x32: {  	[tilespmem:s20+$0x2E0] =	vst v0  }
0x33: {  	[tilespmem:s20+$0x2F0] =	vst v0  }
0x34: {  	[tilespmem:$0xAB00] =	vst v1  }
0x35: {  	[tilespmem:$0xAB10] =	vst v1  }
0x36: {  	[tilespmem:$0xAB20] =	vst v1  }
0x37: {  	[tilespmem:$0xAB30] =	vst v1  }
0x38: {  	[tilespmem:$0xAB40] =	vst v1  }
0x39: {  	[tilespmem:$0xAB50] =	vst v1  }
0x3a: {  	[tilespmem:$0xAB60] =	vst v1  }
0x3b: {  	[tilespmem:$0xAB80] =	vst v0  }
0x3c: {  	[tilespmem:$0xAB90] =	vst v0  }
0x3d: {  	[tilespmem:$0xABA0] =	vst v0  }
0x3e: {  	[tilespmem:$0xABB0] =	vst v0  }
0x3f: {  	[tilespmem:$0xABC0] =	vst v0  }
0x40: {  	[tilespmem:$0xABD0] =	vst v0  }
0x41: {  	[tilespmem:$0xABE0] =	vst v0  }
0x42: {  	[tilespmem:$0xABF0] =	vst v0  }
0x43: {  	[tilespmem:$0xAC00] =	vst v0  }
0x44: {  	[tilespmem:$0xAC10] =	vst v0  }
0x45: {  	[tilespmem:$0xAC20] =	vst v0  }
0x46: {  	[tilespmem:$0xAC30] =	vst v0  }
0x47: {  	[tilespmem:$0xAC40] =	vst v0  }
0x48: {  	[tilespmem:$0xAC50] =	vst v0  }
0x49: {  	[tilespmem:$0xAC60] =	vst v0  }
0x4a: {  	[tilespmem:$0xAC70] =	vst v0  }
0x4b: {  	[tilespmem:$0xAC80] =	vst v0  }
0x4c: {  	[tilespmem:$0xAC90] =	vst v0  }
0x4d: {  	[tilespmem:$0xACA0] =	vst v0  }
0x4e: {  	[tilespmem:$0xACB0] =	vst v0  }
0x4f: {  	[tilespmem:$0xACC0] =	vst v0  }
0x50: {  	[tilespmem:$0xACD0] =	vst v0  }
0x51: {  	[tilespmem:$0xACE0] =	vst v0  }
0x52: {  	[tilespmem:$0xACF0] =	vst v0  }
0x53: {  	[tilespmem:$0xAD00] =	vst v0  }
0x54: {  	[tilespmem:$0xAD10] =	vst v0  }
0x55: {  	[tilespmem:$0xAD20] =	vst v0  }
0x56: {  	[tilespmem:$0xAD30] =	vst v0  }
0x57: {  	[tilespmem:$0xAD40] =	vst v0  }
0x58: {  	[tilespmem:$0xAD50] =	vst v0  }
0x59: {  	[tilespmem:$0xAD60] =	vst v0  }
0x5a: {  	[tilespmem:$0xAD70] =	vst v0  }
0x5b: {  	[tilespmem:$0xAD80] =	vst v0  }
0x5c: {  	[tilespmem:$0xAD90] =	vst v0  }
0x5d: {  	[tilespmem:$0xADA0] =	vst v0  }
0x5e: {  	[tilespmem:$0xADB0] =	vst v0  }
0x5f: {  	[tilespmem:$0xADC0] =	vst v0  }
0x60: {  	[tilespmem:$0xADD0] =	vst v0  }
0x61: {  	[tilespmem:$0xADE0] =	vst v0  }
0x62: {  	[tilespmem:$0xADF0] =	vst v0  }
0x63: {  	[spmem:s24] =	stream.linear.scatter [tilespmem:s29], [sflag:$0x7], $0x2800, $0x38;
	[tilespmem:$0x1F080] =	vst v63  }
0x64: {  	_ =	swait.ge [sflag:s30], $0x2800  }
0x65: {  	[sflag:s30] =	ssyncset.done $0x0  }
0x66: {  	s8 =	rddreg [dreg:$0x11];
	[sflag:s30] =	ssyncadd.s32 $0xFFFFD800  }
0x67: {  	[spmem:s8] =	stream.linear.scatter [tilespmem:s29], [sflag:$0x7], $0x2800, $0x38;
	[tilespmem:$0x1F080] =	vst v63  }
0x68: {  	_ =	swait.ge [sflag:s30], $0x2800  }
0x69: {  	[sflag:s30] =	ssyncset.done $0x0  }
0x6a: {  	s9 =	rddreg [dreg:$0x12];
	[sflag:s30] =	ssyncadd.s32 $0xFFFFD800  }
0x6b: {  	[spmem:s9] =	stream.linear.scatter [tilespmem:s29], [sflag:$0x7], $0x2800, $0x38;
	[tilespmem:$0x1F080] =	vst v63  }
0x6c: {  	_ =	swait.ge [sflag:s30], $0x2800  }
0x6d: {  	[sflag:s30] =	ssyncset.done $0x0  }
0x6e: {  	s16 =	rddreg [dreg:$0x14];
	[sflag:s30] =	ssyncadd.s32 $0xFFFFD800  }
0x6f: {  	[spmem:s16] =	stream.linear.scatter [tilespmem:s29], [sflag:$0x7], $0x2800, $0x38;
	[tilespmem:$0x1F080] =	vst v63  }
0x70: {  	_ =	swait.ge [sflag:s30], $0x2800  }
0x71: {  	[sflag:s30] =	ssyncset.done $0x0  }
0x72: {  	s20 =	rddreg [dreg:$0x15];
	[sflag:s30] =	ssyncadd.s32 $0xFFFFD800  }
0x73: {  	[spmem:s20] =	stream.linear.scatter [tilespmem:s29], [sflag:$0x7], $0x2800, $0x38;
	[tilespmem:$0x1F080] =	vst v63  }
0x74: {  	_ =	swait.ge [sflag:s30], $0x2800  }
0x75: {  	[sflag:s30] =	ssyncset.done $0x0  }
0x76: {  	s21 =	rddreg [dreg:$0x17];
	[sflag:s30] =	ssyncadd.s32 $0xFFFFD800  }
0x77: {  	[spmem:s21] =	stream.linear.scatter [tilespmem:s29], [sflag:$0x7], $0x2800, $0x38;
	[tilespmem:$0x1F080] =	vst v63  }
0x78: {  	_ =	swait.ge [sflag:s30], $0x2800  }
0x79: {  	[sflag:s30] =	ssyncset.done $0x0  }
0x7a: {  	s24 =	rddreg [dreg:$0x18];
	[sflag:s30] =	ssyncadd.s32 $0xFFFFD800  }
0x7b: {  	[spmem:s24] =	stream.linear.scatter [tilespmem:s29], [sflag:$0x7], $0x2800, $0x38;
	[tilespmem:$0x1F080] =	vst v63  }
0x7c: {  	_ =	swait.ge [sflag:s30], $0x2800  }
0x7d: {  	[sflag:s30] =	ssyncset.done $0x0  }
0x7e: {  	s25 =	rddreg [dreg:$0x19];
	[sflag:s30] =	ssyncadd.s32 $0xFFFFD800  }
0x7f: {  	[spmem:s25] =	stream.linear.scatter [tilespmem:s29], [sflag:$0x7], $0x2800, $0x38;
	[tilespmem:$0x1F080] =	vst v63  }
0x80: {  	_ =	swait.ge [sflag:s30], $0x2800  }
0x81: {  	[sflag:s30] =	ssyncset.done $0x0  }
0x82: {  	s26 =	simm.s32 $0xAB80;
	[sflag:s30] =	ssyncadd.s32 $0xFFFFD800  }
0x83: {  	[spmem:s23] =	stream.linear.scatter [tilespmem:s26], [sflag:$0x7], $0x280, $0x38;
	[tilespmem:$0x1F080] =	vst v63  }
0x84: {  	_ =	swait.ge [sflag:s30], $0x280  }
0x85: {  	[sflag:s30] =	ssyncset.done $0x0  }
0x86: {  	[sflag:s30] =	ssyncadd.s32 $0xFFFFFD80  }
0x87: {  	[bflag:$0x0] =	sbarrier.arrive $0xFFFF  }
0x88: {  	s20 =	simm.s32 $0x0;
	s9 =	rddreg [dreg:$0x9]  }
0x89: {  	[tilespmem:s20], [sflag:$0x1] =	stream.linear.gather [hbm4b:s9+s20], $0x70, $0x38;
	[tilespmem:$0x1F080] =	vst v63  }
0x8a: {  	s21 =	rddreg [dreg:$0x8]  }
0x8b: {  	[tilespmem:s0], [sflag:$0x1] =	stream.linear.gather [hbm4b:s21+s20], $0x70, $0x38;
	[tilespmem:$0x1F080] =	vst v63  }
0x8c: {  	s16 =	smov.u32 s23;
	s23 =	rddreg [dreg:$0xa];
	s9 =	simm.s32 $0x80  }
0x8d: {  	[tilespmem:s9], [sflag:$0x2] =	stream.linear.gather [hbm4b:s23+s20], $0x70, $0x38;
	[tilespmem:$0x1F080] =	vst v63  }
0x8e: {  	s24 =	rddreg [dreg:$0xb]  }
0x8f: {  	[tilespmem:s3], [sflag:$0x2] =	stream.linear.gather [hbm4b:s24+s20], $0x70, $0x38;
	[tilespmem:$0x1F080] =	vst v63  }
0x90: {  	s25 =	rddreg [dreg:$0xc];
	s21 =	simm.s32 $0x100  }
0x91: {  	[tilespmem:s21], [sflag:$0x3] =	stream.linear.gather [hbm4b:s25+s20], $0x70, $0x38;
	[tilespmem:$0x1F080] =	vst v63  }
0x92: {  	s26 =	rddreg [dreg:$0xd]  }
0x93: {  	[tilespmem:s10], [sflag:$0x3] =	stream.linear.gather [hbm4b:s26+s20], $0x70, $0x38;
	[tilespmem:$0x1F080] =	vst v63  }
0x94: {  	_ =	swait.ge [sflag:s11], $0x70  }
0x95: {  	[sflag:s11] =	ssyncset.done $0x0  }
0x96: {  	[sflag:s11] =	ssyncadd.s32 $0xFFFFFF90  }
0x97: {  	_ =	swait.ge [sflag:s11], $0x70  }
0x98: {  	[sflag:s11] =	ssyncset.done $0x0  }
0x99: {  	[sflag:s11] =	ssyncadd.s32 $0xFFFFFF90  }
0x9a: {  	[tilespmem:s29], [sflag:$0x4] =	stream.indirect.gather [hbm4b:s1+s12], $0x80, s20, s12, $0xb8;
	[tilespmem:$0x1F080] =	vst v63  }
0x9b: {  	_ =	swait.ge [sflag:s13], $0x70  }
0x9c: {  	[sflag:s13] =	ssyncset.done $0x0  }
0x9d: {  	[sflag:s13] =	ssyncadd.s32 $0xFFFFFF90  }
0x9e: {  	_ =	swait.ge [sflag:s13], $0x70  }
0x9f: {  	[sflag:s13] =	ssyncset.done $0x0  }
0xa0: {  	[sflag:s13] =	ssyncadd.s32 $0xFFFFFF90  }
0xa1: {  	[tilespmem:s14], [sflag:$0x5] =	stream.indirect.gather [hbm4b:s1+s12], $0x80, s9, s12, $0xb8;
	[tilespmem:$0x1F080] =	vst v63  }
0xa2: {  	_ =	swait.ge [sflag:s15], $0x3800  }
0xa3: {  	[sflag:s15] =	ssyncset.done $0x0  }
0xa4: {  	[sflag:s15] =	ssyncadd.s32 $0xFFFFC800  }
0xa5: {  	[spmem:s4] =	stream.indirect.scatter.add.f32 [tilespmem:s29], [sflag:$0x7], $0x80, s0, s12, $0xb8;
	[tilespmem:$0x1F080] =	vst v63  }
0xa6: {  	p1 =	sle.u32 s7, $0x3;
	_ =	swait.ge [sflag:s30], $0x3800  }
0xa7: {  	s21 =	sadd.s32 @!p1 $0xFFFFFF20, s22;
	[sflag:s30] =	ssyncset.done $0x0  }
0xa8: {  	s21 =	sshrl.u32 @!p1 s21, $0x3;
	[sflag:s30] =	ssyncadd.s32 $0xFFFFC800  }
0xa9: {  	[spmem:s5] =	stream.indirect.scatter.add.f32 [tilespmem:s17], [sflag:$0x7], $0x1, s0, s12, $0xb8;
	[tilespmem:$0x1F080] =	vst v63  }
0xaa: {  	s24 =	simm.s32 @!p1 $0x0;
	s21 =	sadd.s32 @!p1 s2, s21;
	_ =	swait.ge [sflag:s30], $0x70  }
0xab: {  	s20 =	sadd.s32 @!p1 $0xFFFB1320, s22;
	[sflag:s30] =	ssyncset.done $0x0;
	s9 =	rddreg [dreg:$0x6]  }
0xac: {  	s20 =	sshrl.u32 @!p1 s20, $0x3;
	[sflag:s30] =	ssyncadd.s32 $0xFFFFFF90;
	p0 =	sle.u32 s9, $0x0  }
0xad: {  	[tilespmem:s24], [sflag:$0x1] =	stream.linear.gather @!p1 [hbm4b:s21+s24], $0x70, $0x38;
	[tilespmem:$0x1F080] =	vst v63  }
0xae: {  	s20 =	sadd.s32 @!p1 s2, s20;
	s21 =	simm.s32 @!p1 $0x180;
	s23 =	simm.s32 @!p0 $0x3  }
0xaf: {  	[tilespmem:s21], [sflag:$0x1] =	stream.linear.gather @!p1 [hbm4b:s20+s24], $0x70, $0x38;
	[tilespmem:$0x1F080] =	vst v63  }
0xb0: {  	_ =	swait.ge @!p0 [sflag:s23], $0x70  }
0xb1: {  	[sflag:s23] =	ssyncset.done @!p0 $0x0  }
0xb2: {  	[sflag:s23] =	ssyncadd.s32 @!p0 $0xFFFFFF90  }
0xb3: {  	_ =	swait.ge @!p0 [sflag:s23], $0x70  }
0xb4: {  	s20 =	simm.s32 @!p0 $0x7300;
	[sflag:s23] =	ssyncset.done @!p0 $0x0  }
0xb5: {  	s21 =	simm.s32 @!p0 $0x70;
	[sflag:s23] =	ssyncadd.s32 @!p0 $0xFFFFFF90;
	s23 =	simm.s32 @!p0 $0x100  }
0xb6: {  	[tilespmem:s20], [sflag:$0x6] =	stream.indirect.gather @!p0 [hbm4b:s1+s21], $0x80, s23, s21, $0xb8;
	[tilespmem:$0x1F080] =	vst v63  }
0xb7: {  	_ =	swait.ge [sflag:s18], $0x3800  }
0xb8: {  	[sflag:s18] =	ssyncset.done $0x0  }
0xb9: {  	[sflag:s18] =	ssyncadd.s32 $0xFFFFC800  }
0xba: {  	[spmem:s4] =	stream.indirect.scatter.add.f32 [tilespmem:s14], [sflag:$0x7], $0x80, s3, s12, $0xb8;
	[tilespmem:$0x1F080] =	vst v63  }
0xbb: {  	_ =	swait.ge [sflag:s30], $0x3800  }
0xbc: {  	p0 =	sle.u32 s7, $0x4;
	[sflag:s30] =	ssyncset.done $0x0  }
0xbd: {  	s20 =	sadd.s32 @!p0 $0xFFFFFF90, s22;
	[sflag:s30] =	ssyncadd.s32 $0xFFFFC800  }
0xbe: {  	[spmem:s5] =	stream.indirect.scatter.add.f32 [tilespmem:s17], [sflag:$0x7], $0x1, s3, s12, $0xb8;
	[tilespmem:$0x1F080] =	vst v63  }
0xbf: {  	s21 =	sadd.s32 @!p0 $0xFFFB1390, s22;
	s25 =	simm.s32 @!p0 $0x0;
	_ =	swait.ge [sflag:s30], $0x70  }
0xc0: {  	s23 =	simm.s32 @!p0 $0x80;
	s20 =	sshrl.u32 @!p0 s20, $0x3;
	[sflag:s30] =	ssyncset.done $0x0  }
0xc1: {  	s21 =	sshrl.u32 @!p0 s21, $0x3;
	s20 =	sadd.s32 @!p0 s2, s20;
	[sflag:s30] =	ssyncadd.s32 $0xFFFFFF90  }
0xc2: {  	[tilespmem:s23], [sflag:$0x2] =	stream.linear.gather @!p0 [hbm4b:s20+s25], $0x70, $0x38;
	[tilespmem:$0x1F080] =	vst v63  }
0xc3: {  	s26 =	simm.s32 @!p0 $0x200;
	s21 =	sadd.s32 @!p0 s2, s21;
	s20 =	simm.s32 @!p1 $0x1  }
0xc4: {  	[tilespmem:s26], [sflag:$0x2] =	stream.linear.gather @!p0 [hbm4b:s21+s25], $0x70, $0x38;
	[tilespmem:$0x1F080] =	vst v63  }
0xc5: {  	_ =	swait.ge @!p1 [sflag:s20], $0x70  }
0xc6: {  	[sflag:s20] =	ssyncset.done @!p1 $0x0  }
0xc7: {  	[sflag:s20] =	ssyncadd.s32 @!p1 $0xFFFFFF90  }
0xc8: {  	_ =	swait.ge @!p1 [sflag:s20], $0x70  }
0xc9: {  	[sflag:s20] =	ssyncset.done @!p1 $0x0  }
0xca: {  	s21 =	simm.s32 @!p1 $0x300;
	[sflag:s20] =	ssyncadd.s32 @!p1 $0xFFFFFF90;
	s20 =	simm.s32 @!p1 $0x70  }
0xcb: {  	[tilespmem:s21], [sflag:$0x4] =	stream.indirect.gather @!p1 [hbm4b:s1+s20], $0x80, s24, s20, $0xb8;
	[tilespmem:$0x1F080] =	vst v63  }
0xcc: {  	p2 =	sle.u32 s7, $0x5;
	_ =	swait.ge [sflag:s19], $0x3800  }
0xcd: {  	s28 =	simm.s32 @!p2 $0x100;
	[sflag:s19] =	ssyncset.done $0x0;
	s26 =	rddreg [dreg:$0xe]  }
0xce: {  	s25 =	rddreg [dreg:$0x7];
	s20 =	sadd.s32 $0xFFFFFFFF, s26;
	[sflag:s19] =	ssyncadd.s32 $0xFFFFC800  }
0xcf: {  	[spmem:s4] =	stream.indirect.scatter.add.f32 [tilespmem:s25], [sflag:$0x7], $0x80, s10, s12, $0xb8;
	[tilespmem:$0x1F080] =	vst v63  }
0xd0: {  	s21 =	simm.s32 $0x3;
	p1 =	sne.s32 s20, $0x0;
	_ =	swait.ge [sflag:s30], $0x3800  }
.Ltmp1:
0xd1: {  	s24 =	simm.s32 @!p2 $0x0;
	[sflag:s30] =	ssyncset.done $0x0;
	(pc) =	sbr.rel @!p1 .LBB2_5-.Ltmp1, $4  }
0xd2: {  	s26 =	sadd.s32 @!p2 $0xFFFB1400, s22;
	s25 =	sshrl.u32 @!p2 s22, $0x3;
	[sflag:s30] =	ssyncadd.s32 $0xFFFFC800  }
0xd3: {  	[spmem:s5] =	stream.indirect.scatter.add.f32 [tilespmem:s17], [sflag:$0x7], $0x1, s10, s12, $0xb8;
	[tilespmem:$0x1F080] =	vst v63  }
0xd4: {  	s31 =	sadd.s32 @!p2 s2, s25;
	s25 =	sshrl.u32 @!p2 s26, $0x3;
	_ =	swait.ge [sflag:s30], $0x70  }
0xd5: {  	s26 =	sadd.s32 @!p2 s2, s25;
	s25 =	smov.u32 s22;
	[sflag:s30] =	ssyncset.done $0x0  }
.LBB2_4:
0xd6: {  	[sflag:s30] =	ssyncadd.s32 $0xFFFFFF90  }
0xd7: {  	[tilespmem:s28], [sflag:$0x3] =	stream.linear.gather @!p2 [hbm4b:s31+s24], $0x70, $0x38;
	[tilespmem:$0x1F080] =	vst v63  }
0xd8: {  	s28 =	simm.s32 @!p2 $0x280;
	s31 =	simm.s32 @!p0 $0x2  }
0xd9: {  	[tilespmem:s28], [sflag:$0x3] =	stream.linear.gather @!p2 [hbm4b:s26+s24], $0x70, $0x38;
	[tilespmem:$0x1F080] =	vst v63  }
0xda: {  	_ =	swait.ge @!p0 [sflag:s31], $0x70  }
0xdb: {  	[sflag:s31] =	ssyncset.done @!p0 $0x0  }
0xdc: {  	[sflag:s31] =	ssyncadd.s32 @!p0 $0xFFFFFF90  }
0xdd: {  	_ =	swait.ge @!p0 [sflag:s31], $0x70  }
0xde: {  	[sflag:s31] =	ssyncset.done @!p0 $0x0  }
0xdf: {  	s26 =	simm.s32 @!p0 $0x3B00;
	s28 =	simm.s32 @!p0 $0x70;
	[sflag:s31] =	ssyncadd.s32 @!p0 $0xFFFFFF90  }
0xe0: {  	[tilespmem:s26], [sflag:$0x5] =	stream.indirect.gather @!p0 [hbm4b:s1+s28], $0x80, s23, s28, $0xb8;
	[tilespmem:$0x1F080] =	vst v63  }
0xe1: {  	_ =	swait.ge [sflag:s15], $0x3800  }
0xe2: {  	[sflag:s15] =	ssyncset.done $0x0  }
0xe3: {  	[sflag:s15] =	ssyncadd.s32 $0xFFFFC800  }
0xe4: {  	[spmem:s4] =	stream.indirect.scatter.add.f32 [tilespmem:s29], [sflag:$0x7], $0x80, s0, s12, $0xb8;
	[tilespmem:$0x1F080] =	vst v63  }
0xe5: {  	s24 =	smov.u32 s21;
	s21 =	sadd.s32 $0x3, s21;
	_ =	swait.ge [sflag:s30], $0x3800  }
0xe6: {  	s25 =	sadd.s32 $0x150, s25;
	p2 =	sge.u32 s21, s7;
	[sflag:s30] =	ssyncset.done $0x0  }
0xe7: {  	s8 =	sadd.s32 @!p2 $0xFFFB1320, s25;
	s9 =	sadd.s32 @!p2 $0xFFFFFF20, s25;
	[sflag:s30] =	ssyncadd.s32 $0xFFFFC800  }
0xe8: {  	[spmem:s5] =	stream.indirect.scatter.add.f32 [tilespmem:s17], [sflag:$0x7], $0x1, s0, s12, $0xb8;
	[tilespmem:$0x1F080] =	vst v63  }
0xe9: {  	s9 =	sshrl.u32 @!p2 s9, $0x3;
	s8 =	sshrl.u32 @!p2 s8, $0x3;
	_ =	swait.ge [sflag:s30], $0x70  }
0xea: {  	s9 =	sadd.s32 @!p2 s2, s9;
	[sflag:s30] =	ssyncset.done $0x0;
	s26 =	rddreg [dreg:$0x6]  }
0xeb: {  	s31 =	simm.s32 @!p2 $0x0;
	[sflag:s30] =	ssyncadd.s32 $0xFFFFFF90;
	p0 =	sge.u32 s24, s26  }
0xec: {  	[tilespmem:s31], [sflag:$0x1] =	stream.linear.gather @!p2 [hbm4b:s9+s31], $0x70, $0x38;
	[tilespmem:$0x1F080] =	vst v63  }
0xed: {  	s8 =	sadd.s32 @!p2 s2, s8;
	s9 =	simm.s32 @!p2 $0x180;
	s23 =	simm.s32 @!p0 $0x3  }
0xee: {  	[tilespmem:s9], [sflag:$0x1] =	stream.linear.gather @!p2 [hbm4b:s8+s31], $0x70, $0x38;
	[tilespmem:$0x1F080] =	vst v63  }
0xef: {  	_ =	swait.ge @!p0 [sflag:s23], $0x70  }
0xf0: {  	[sflag:s23] =	ssyncset.done @!p0 $0x0  }
0xf1: {  	[sflag:s23] =	ssyncadd.s32 @!p0 $0xFFFFFF90  }
0xf2: {  	_ =	swait.ge @!p0 [sflag:s23], $0x70  }
0xf3: {  	s26 =	simm.s32 @!p0 $0x100;
	[sflag:s23] =	ssyncset.done @!p0 $0x0  }
0xf4: {  	s8 =	simm.s32 @!p0 $0x7300;
	[sflag:s23] =	ssyncadd.s32 @!p0 $0xFFFFFF90;
	s23 =	simm.s32 @!p0 $0x70  }
0xf5: {  	[tilespmem:s8], [sflag:$0x6] =	stream.indirect.gather @!p0 [hbm4b:s1+s23], $0x80, s26, s23, $0xb8;
	[tilespmem:$0x1F080] =	vst v63  }
0xf6: {  	_ =	swait.ge [sflag:s18], $0x3800  }
0xf7: {  	[sflag:s18] =	ssyncset.done $0x0  }
0xf8: {  	[sflag:s18] =	ssyncadd.s32 $0xFFFFC800  }
0xf9: {  	[spmem:s4] =	stream.indirect.scatter.add.f32 [tilespmem:s14], [sflag:$0x7], $0x80, s3, s12, $0xb8;
	[tilespmem:$0x1F080] =	vst v63  }
0xfa: {  	s9 =	sadd.s32 $0x4, s24;
	_ =	swait.ge [sflag:s30], $0x3800  }
0xfb: {  	p0 =	sge.u32 s9, s7;
	[sflag:s30] =	ssyncset.done $0x0  }
0xfc: {  	s8 =	sadd.s32 @!p0 $0xFFFB1390, s25;
	[sflag:s30] =	ssyncadd.s32 $0xFFFFC800  }
0xfd: {  	[spmem:s5] =	stream.indirect.scatter.add.f32 [tilespmem:s17], [sflag:$0x7], $0x1, s3, s12, $0xb8;
	[tilespmem:$0x1F080] =	vst v63  }
0xfe: {  	s9 =	sadd.s32 @!p0 $0xFFFFFF90, s25;
	s28 =	simm.s32 @!p0 $0x0;
	_ =	swait.ge [sflag:s30], $0x70  }
0xff: {  	s23 =	simm.s32 @!p0 $0x80;
	s9 =	sshrl.u32 @!p0 s9, $0x3;
	[sflag:s30] =	ssyncset.done $0x0  }
0x100: {  	s8 =	sshrl.u32 @!p0 s8, $0x3;
	s9 =	sadd.s32 @!p0 s2, s9;
	[sflag:s30] =	ssyncadd.s32 $0xFFFFFF90  }
0x101: {  	[tilespmem:s23], [sflag:$0x2] =	stream.linear.gather @!p0 [hbm4b:s9+s28], $0x70, $0x38;
	[tilespmem:$0x1F080] =	vst v63  }
0x102: {  	s26 =	simm.s32 @!p2 $0x1;
	s8 =	sadd.s32 @!p0 s2, s8;
	s9 =	simm.s32 @!p0 $0x200  }
0x103: {  	[tilespmem:s9], [sflag:$0x2] =	stream.linear.gather @!p0 [hbm4b:s8+s28], $0x70, $0x38;
	[tilespmem:$0x1F080] =	vst v63  }
0x104: {  	_ =	swait.ge @!p2 [sflag:s26], $0x70  }
0x105: {  	[sflag:s26] =	ssyncset.done @!p2 $0x0  }
0x106: {  	[sflag:s26] =	ssyncadd.s32 @!p2 $0xFFFFFF90  }
0x107: {  	_ =	swait.ge @!p2 [sflag:s26], $0x70  }
0x108: {  	[sflag:s26] =	ssyncset.done @!p2 $0x0  }
0x109: {  	s8 =	simm.s32 @!p2 $0x70;
	s9 =	simm.s32 @!p2 $0x300;
	[sflag:s26] =	ssyncadd.s32 @!p2 $0xFFFFFF90  }
0x10a: {  	[tilespmem:s9], [sflag:$0x4] =	stream.indirect.gather @!p2 [hbm4b:s1+s8], $0x80, s31, s8, $0xb8;
	[tilespmem:$0x1F080] =	vst v63  }
0x10b: {  	_ =	swait.ge [sflag:s19], $0x3800  }
0x10c: {  	s20 =	sadd.s32 $0xFFFFFFFF, s20;
	[sflag:s19] =	ssyncset.done $0x0  }
0x10d: {  	s26 =	sadd.s32 $0x5, s24;
	s8 =	rddreg [dreg:$0x7];
	[sflag:s19] =	ssyncadd.s32 $0xFFFFC800  }
0x10e: {  	[spmem:s4] =	stream.indirect.scatter.add.f32 [tilespmem:s8], [sflag:$0x7], $0x80, s10, s12, $0xb8;
	[tilespmem:$0x1F080] =	vst v63  }
0x10f: {  	p1 =	sne.s32 s20, $0x0;
	p2 =	sge.u32 s26, s7;
	_ =	swait.ge [sflag:s30], $0x3800  }
.Ltmp2:
0x110: {  	s9 =	sshrl.u32 @!p2 s25, $0x3;
	[sflag:s30] =	ssyncset.done $0x0;
	(pc) =	sbr.rel @p1 .LBB2_4-.Ltmp2, $4  }
0x111: {  	s24 =	simm.s32 @!p2 $0x0;
	s8 =	sadd.s32 @!p2 $0xFFFB1400, s25;
	[sflag:s30] =	ssyncadd.s32 $0xFFFFC800  }
0x112: {  	[spmem:s5] =	stream.indirect.scatter.add.f32 [tilespmem:s17], [sflag:$0x7], $0x1, s10, s12, $0xb8;
	[tilespmem:$0x1F080] =	vst v63  }
0x113: {  	s28 =	simm.s32 @!p2 $0x100;
	s8 =	sshrl.u32 @!p2 s8, $0x3;
	_ =	swait.ge [sflag:s30], $0x70  }
0x114: {  	s31 =	sadd.s32 @!p2 s2, s9;
	s26 =	sadd.s32 @!p2 s2, s8;
	[sflag:s30] =	ssyncset.done $0x0  }
.LBB2_5:
0x115: {  	[sflag:s30] =	ssyncadd.s32 $0xFFFFFF90  }
0x116: {  	[tilespmem:s28], [sflag:$0x3] =	stream.linear.gather @!p2 [hbm4b:s31+s24], $0x70, $0x38;
	[tilespmem:$0x1F080] =	vst v63  }
0x117: {  	s8 =	simm.s32 @!p2 $0x280;
	s9 =	simm.s32 @!p0 $0x2  }
0x118: {  	[tilespmem:s8], [sflag:$0x3] =	stream.linear.gather @!p2 [hbm4b:s26+s24], $0x70, $0x38;
	[tilespmem:$0x1F080] =	vst v63  }
0x119: {  	_ =	swait.ge @!p0 [sflag:s9], $0x70  }
0x11a: {  	[sflag:s9] =	ssyncset.done @!p0 $0x0  }
0x11b: {  	[sflag:s9] =	ssyncadd.s32 @!p0 $0xFFFFFF90  }
0x11c: {  	_ =	swait.ge @!p0 [sflag:s9], $0x70  }
0x11d: {  	[sflag:s9] =	ssyncset.done @!p0 $0x0  }
0x11e: {  	s20 =	simm.s32 @!p0 $0x70;
	s8 =	simm.s32 @!p0 $0x3B00;
	[sflag:s9] =	ssyncadd.s32 @!p0 $0xFFFFFF90  }
0x11f: {  	[tilespmem:s8], [sflag:$0x5] =	stream.indirect.gather @!p0 [hbm4b:s1+s20], $0x80, s23, s20, $0xb8;
	[tilespmem:$0x1F080] =	vst v63  }
0x120: {  	s21 =	stileid.u32;
	[bflag:$0x0] =	sbarrier.arrive $0xFFFF  }
0x121: {  	s8 =	sshll.u32 s21, $0x6;
	s24 =	rddreg [dreg:$0xf]  }
0x122: {  	s8 =	sor.u32 $0x1C07, s8;
	s25 =	rddreg [dreg:$0x13];
	s23 =	sshrl.u32 s24, $0x3  }
0x123: {  	[hbm:s25], [sflag:s8] =	dma.local [spmem:s23], $0x2800  }
0x124: {  	_ =	swait.ge [sflag:s30], $0x2800  }
0x125: {  	[sflag:s30] =	ssyncset.done $0x0  }
0x126: {  	s26 =	sshrl.u32 s16, $0x3;
	s28 =	rddreg [dreg:$0x16];
	[sflag:s30] =	ssyncadd.s32 $0xFFFFD800  }
0x127: {  	[hbm:s28], [sflag:s8] =	dma.local [spmem:s26], $0x50  }
0x128: {  	_ =	swait.ge [sflag:s30], $0x50  }
0x129: {  	s6 =	sadd.s32 $0x1, s6;
	s31 =	rddreg [dreg:$0x10]  }
0x12a: {  	p0 =	sne.s32 s6, s31  }
.Ltmp3:
0x12b: {  	_ = 	snop;
	(pc) =	sbr.rel @p0 .LBB2_1-.Ltmp3, $3  }
0x12c: {  	_ =	sdelay $0x1  }
0x12d: {  	[sflag:s30] =	ssyncset.done $0x0  }
0x12e: {  	s23 =	smov.u32 s16;
	[sflag:s30] =	ssyncadd.s32 $0xFFFFFFB0  }
0x12f: {  	_ =	sfence.sel $0x180000  }
0x130: {  	[bflag:$0x0] =	sbarrier.arrive $0xFFFF  }
0x131: {  	_ =	strace $0x90000047  }
0x132: {  	s0 =	stileid.u32;
	[bflag:$0x2] =	sbarrier.arrive $0xFFFF  }
0x133: {  	p0 =	sne.s32 s0, $0x0;
	s0 =	rddreg [dreg:$0x5]  }
0x134: {  	s0 =	sadd.s32 @!p0 $0x100000, s0  }
0x135: {  	[sflag:s0] =	ssyncadd.tile.s32 @!p0 $0x1;
	_ =	shalt  }
.Lfunc_end2:
_tile_overlayer_lowered:
.L_overlay_start_2:
0x136: {  	(tag) =	ssettag $0x2  }
0x137: {  	s0 =	rddreg [dreg:$0x0];
	s2 =	stileid.u32  }
0x138: {  	s1 =	rddreg [dreg:$0x1];
	p0 =	sne.s32 s2, $0x0  }
0x139: {  	s3 =	rddreg [dreg:$0x2];
	[bflag:$0x3] =	sbarrier.arrive $0xFFFF;
	s2 =	simm.s32 @!p0 $0x1C07  }
0x13a: {  	[timem:s3], [sflag:s2] =	dma.local @!p0 [hbm:s0], s1  }
0x13b: {  	s0 =	simm.s32 @!p0 $0x7  }
0x13c: {  	_ =	swait.ge @!p0 [sflag:s0], s1  }
0x13d: {  	s1 =	ssub.s32 @!p0 $0x0, s1;
	[sflag:s0] =	ssyncset.done @!p0 $0x0  }
0x13e: {  	[sflag:s0] =	ssyncadd.s32 @!p0 s1  }
0x13f: {  	[bflag:$0x3] =	sbarrier.arrive $0xFFFF  }
0x140: {  	_ =	shalt  }

</sc_bundles>
